<compile_context>
chip_gen: v7x
topology: tpu7x:2x2x1
jax: 0.10.2.dev20260603
libtpu: 0.0.44.dev20260713+nightly
codegen_flags: <defaults>
</compile_context>

<pallas_src>
import functools

import jax
import jax.numpy as jnp
import numpy as np
from jax import lax
from jax.experimental import pallas as pl
from jax.experimental.pallas import tpu as pltpu
from jax.experimental.pallas import tpu_sc as plsc

_INT_MIN = np.int32(-(2**31))


def _score_select_body(keep_n, xt_ref, w1t_ref, b1_ref, w2_ref, b2_ref,
                       a_ref, t_ref, s_ref):
    bb, d, n = xt_ref.shape

    @pl.when(pl.program_id(0) == 0)
    def _():
        r = lax.broadcasted_iota(jnp.int32, (n, n), 0)
        c = lax.broadcasted_iota(jnp.int32, (n, n), 1)
        t_ref[...] = (r <= c).astype(jnp.float32)

    for r in range(bb):
        h = jnp.dot(w1t_ref[...], xt_ref[r], preferred_element_type=jnp.float32)
        h = h + b1_ref[...]
        h = 0.5 * h * (1.0 + lax.erf(h * np.float32(0.7071067811865476)))
        s_ref[pl.ds(r, 1), :] = jnp.dot(w2_ref[...], h,
                                        preferred_element_type=jnp.float32)
    s = s_ref[...] + b2_ref[0, 0]

    bits = lax.bitcast_convert_type(s, jnp.int32)
    key = jnp.where(bits >= 0, bits, bits ^ np.int32(0x7FFFFFFF))
    cu = jnp.zeros((bb, 1), jnp.int32)
    for bit in range(31, -1, -1):
        bitval = _INT_MIN if bit == 31 else np.int32(1 << bit)
        cand = cu | bitval
        cand_s = cand ^ _INT_MIN
        cnt = jnp.sum((key >= cand_s).astype(jnp.int32), axis=1, keepdims=True)
        cu = jnp.where(cnt >= keep_n, cand, cu)
    t_s = cu ^ _INT_MIN

    gt = key > t_s
    eq = key == t_s
    c_gt = jnp.sum(gt.astype(jnp.int32), axis=1, keepdims=True)
    need = (keep_n - c_gt).astype(jnp.float32)
    eqf = eq.astype(jnp.float32)
    eqcum = jnp.dot(eqf, t_ref[...], preferred_element_type=jnp.float32)
    tie = eq & ((eqcum - eqf) < need)
    keepm = gt | tie
    keepf = keepm.astype(jnp.float32)
    dcum = jnp.dot(keepf, t_ref[...], preferred_element_type=jnp.float32)
    dest = dcum.astype(jnp.int32) - 1
    a_ref[...] = jnp.where(keepm, dest, np.int32(-1))


def _sc_gather_body(n, d, keep, rw,
                    xt_hbm, a_hbm, out_hbm, xbuf, dest_v, idx_v, ob0, sem0):
    cid = lax.axis_index("c")
    sid = lax.axis_index("s")
    wid = sid * 2 + cid
    iota = lax.iota(jnp.int32, 16)
    zeros16 = jnp.zeros((16,), jnp.int32)
    nch = 12

    def row_body(r, carry):
        b = wid * rw + r
        pltpu.sync_copy(xt_hbm.at[pl.ds(b * d, d)], xbuf)
        pltpu.sync_copy(a_hbm.at[b], dest_v)

        zbase = (keep // 16) * 16
        def zbody(c, carry2):
            idx_v[pl.ds(zbase + c * 16, 16)] = zeros16
            return carry2

        lax.fori_loop(0, (nch * 64 - zbase) // 16, zbody, 0)

        def cbody(c, carry2):
            dchunk = dest_v[pl.ds(c * 16, 16)]
            msk = (dchunk >= 0) & (dchunk < nch * 64)
            dsafe = jnp.where(msk, dchunk, 0)
            plsc.store_scatter(idx_v, [dsafe], iota + c * 16, mask=msk)
            return carry2

        lax.fori_loop(0, n // 16, cbody, 0)

        def chunk(c, carry2):
            def gbody(g, carry3):
                src16 = idx_v[pl.ds(c * 64 + g * 16, 16)]
                o16 = g * 16 + iota
                for dd in range(d):
                    dsplat = jnp.full((16,), dd, jnp.int32)
                    v = plsc.load_gather(xbuf, [dsplat, src16])
                    plsc.store_scatter(ob0, [o16, dsplat], v)
                return carry3

            lax.fori_loop(0, 4, gbody, 0)
            pltpu.async_copy(ob0, out_hbm.at[b, c], sem0).wait()
            return carry2

        lax.fori_loop(0, nch, chunk, 0)
        return carry

    lax.fori_loop(0, rw, row_body, 0)


def kernel(x, W1, b1, W2, b2):
    B, N, D = x.shape
    H = W1.shape[1]
    KEEP = (N * 7) // 10

    xt = jnp.transpose(x, (0, 2, 1))
    w1t = jnp.transpose(W1)

    BB = 8
    A = pl.pallas_call(
        functools.partial(_score_select_body, KEEP),
        grid=(B // BB,),
        in_specs=[
            pl.BlockSpec((BB, D, N), lambda i: (i, 0, 0)),
            pl.BlockSpec((H, D), lambda i: (0, 0)),
            pl.BlockSpec((H, N), lambda i: (0, 0)),
            pl.BlockSpec((1, H), lambda i: (0, 0)),
            pl.BlockSpec((1, 1), lambda i: (0, 0)),
        ],
        out_specs=pl.BlockSpec((BB, N), lambda i: (i, 0)),
        out_shape=jax.ShapeDtypeStruct((B, N), jnp.int32),
        scratch_shapes=[pltpu.VMEM((N, N), jnp.float32),
                        pltpu.VMEM((BB, N), jnp.float32)],
    )(xt, w1t, jnp.broadcast_to(b1.reshape(H, 1), (H, N)), W2.reshape(1, H),
      b2.reshape(1, 1))

    info = plsc.get_sparse_core_info()
    assert info.num_cores == 2 and info.num_subcores == 16
    RW = B // 32

    xt2d = xt.reshape(B * D, N)
    sc_fn = functools.partial(_sc_gather_body, N, D, KEEP, RW)
    out4 = pl.kernel(
        sc_fn,
        mesh=plsc.VectorSubcoreMesh(core_axis_name="c", subcore_axis_name="s"),
        compiler_params=pltpu.CompilerParams(needs_layout_passes=False),
        out_type=jax.ShapeDtypeStruct((B, 12, 64, D), jnp.float32),
        scratch_types=[
            pltpu.VMEM((D, N), jnp.float32),
            pltpu.VMEM((N,), jnp.int32),
            pltpu.VMEM((6 * 128,), jnp.int32),
            pltpu.VMEM((64, D), jnp.float32),
            pltpu.SemaphoreType.DMA,
        ],
    )(xt2d, A)

    return out4.reshape(B, 12 * 64, D)[:, :KEEP, :]

# --- scband reference (transcript-rebuilt; emitter-appended) ---
"""Pipeline reference for scband-attention-based-pruner-19078244729170 (READ-ONLY COPY).

The authoritative reference and input builder live on the scoring server;
editing this copy changes nothing except your own understanding.
"""

import jax, jax.numpy as jnp
import numpy as np

B, N, D = 256, 1024, 96
HIDDEN = D // 4
KEEP = int(N * 0.7)


def setup_inputs(seed: int = 0) -> dict:
    key = jax.random.key(seed)
    k1, k2, k3 = jax.random.split(key, 3)
    x = jax.random.normal(k1, (B, N, D), dtype=jnp.float32)
    W1 = jax.random.normal(k2, (D, HIDDEN), dtype=jnp.float32) * 0.02
    b1 = jnp.zeros((HIDDEN,), dtype=jnp.float32)
    W2 = jax.random.normal(k3, (HIDDEN, 1), dtype=jnp.float32) * 0.02
    b2 = jnp.zeros((1,), dtype=jnp.float32)
    return {"x": x, "W1": W1, "b1": b1, "W2": W2, "b2": b2}


def reference(x, W1, b1, W2, b2):
    # score_predictor: Linear -> GELU (exact, erf-based like torch default) -> Linear
    h = jax.nn.gelu(x @ W1 + b1, approximate=False)
    scores = (h @ W2 + b2)[..., 0]  # [B, N]
    # eval path (module not in training mode): no gumbel noise
    _, indices = jax.lax.top_k(scores, KEEP)  # [B, KEEP]
    indices = jnp.sort(indices, axis=1)
    pruned_x = jnp.take_along_axis(x, indices[:, :, None], axis=1)  # [B, KEEP, D]
    return pruned_x

if __name__ == "__main__":
    import jax
    _d = setup_inputs()
    print(jax.jit(kernel)(*tuple(_d.values())))

</pallas_src>

<mosaic_0001>
#map = affine_map<(d0, d1) -> (0, 0)>
#map1 = affine_map<(d0, d1) -> (0, 0, 0, 0)>
module attributes {stable_mosaic.version = 14 : i64} {
  func.func @_sc_gather_body(%arg0: i32, %arg1: i32, %arg2: memref<24576x1024xf32, #tpu.memory_space<hbm>>, %arg3: memref<256x1024xi32, #tpu.memory_space<hbm>>, %arg4: memref<256x12x64x96xf32, #tpu.memory_space<hbm>>, %arg5: memref<96x1024xf32, #tpu.memory_space<vmem>>, %arg6: memref<1024xi32, #tpu.memory_space<vmem>>, %arg7: memref<768xi32, #tpu.memory_space<vmem>>, %arg8: memref<64x96xf32, #tpu.memory_space<vmem>>, %arg9: memref<!tpu.dma_semaphore, #tpu.memory_space<semaphore_mem>>) attributes {dimension_semantics = [#tpu.dimension_semantics<core_parallel>, #tpu.dimension_semantics<subcore_parallel>], iteration_bounds = array<i64: 2, 16>, scalar_prefetch = 0 : i64, scratch_operands = 5 : i64, tpu.core_type = #tpu.core_type<sc_vector_subcore>, window_params = [{transform_indices = #map}, {transform_indices = #map}, {transform_indices = #map1}]} {
    %mul3A = arith.constant 2 : i32
    %mul3A_0 = arith.muli %arg1, %mul3A : i32
    %add3A = arith.addi %mul3A_0, %arg0 : i32
    %iota3A = tpu.iota {dimensions = array<i32: 0>} : vector<16xi32>
    %broadcast_in_dim3A = arith.constant 0 : i32
    %broadcast_in_dim3A_1 = vector.broadcast %broadcast_in_dim3A : i32 to vector<16xi32>
    %scan3A = arith.constant 0 : i32
    %scan3A_2 = arith.constant 0 : i32
    %scan3A_3 = arith.constant 8 : i32
    %scan3A_4 = arith.addi %scan3A_2, %scan3A_3 : i32
    %scan3A_5 = arith.constant 1 : i32
    scf.for %scan3A_7 = %scan3A_2 to %scan3A_4 step %scan3A_5  : i32 {
      %mul3A_8 = arith.constant 8 : i32
      %mul3A_9 = arith.muli %add3A, %mul3A_8 : i32
      %add3A_10 = arith.addi %mul3A_9, %scan3A_7 : i32
      %mul3A_11 = arith.constant 96 : i32
      %mul3A_12 = arith.muli %add3A_10, %mul3A_11 : i32
      "tpu.region"() ({
        %run_scoped3A = tpu.sem_alloc : memref<!tpu.dma_semaphore, #tpu.memory_space<semaphore_mem>>
        %dma_start3A = arith.constant 0 : i32
        %dma_start3A_31 = tpu.memref_slice %arg2[%mul3A_12, %dma_start3A] : memref<24576x1024xf32, #tpu.memory_space<hbm>> -> memref<96x1024xf32, #tpu.memory_space<hbm>>
        %dma_start3A_32 = arith.constant 0 : i32
        %dma_start3A_33 = tpu.memref_slice %arg2[%mul3A_12, %dma_start3A_32] : memref<24576x1024xf32, #tpu.memory_space<hbm>> -> memref<96x1024xf32, #tpu.memory_space<hbm>>
        tpu.enqueue_dma source(%dma_start3A_33 : memref<96x1024xf32, #tpu.memory_space<hbm>>) target(%arg5 : memref<96x1024xf32, #tpu.memory_space<vmem>>) target_semaphore(%run_scoped3A : memref<!tpu.dma_semaphore, #tpu.memory_space<semaphore_mem>>)
        %dma_wait3A = arith.constant 0 : i32
        %dma_wait3A_34 = tpu.memref_slice %arg2[%mul3A_12, %dma_wait3A] : memref<24576x1024xf32, #tpu.memory_space<hbm>> -> memref<96x1024xf32, #tpu.memory_space<hbm>>
        %dma_wait3A_35 = arith.constant 0 : i32
        %dma_wait3A_36 = tpu.memref_slice %arg2[%mul3A_12, %dma_wait3A_35] : memref<24576x1024xf32, #tpu.memory_space<hbm>> -> memref<96x1024xf32, #tpu.memory_space<hbm>>
        tpu.wait_dma2 semaphore(%run_scoped3A : memref<!tpu.dma_semaphore, #tpu.memory_space<semaphore_mem>>) src(%dma_wait3A_36 : memref<96x1024xf32, #tpu.memory_space<hbm>>) dst(%arg5 : memref<96x1024xf32, #tpu.memory_space<vmem>>)
        tpu.yield
      }) : () -> ()
      "tpu.region"() ({
        %run_scoped3A = tpu.sem_alloc : memref<!tpu.dma_semaphore, #tpu.memory_space<semaphore_mem>>
        %dma_start3A = arith.constant 0 : i32
        %dma_start3A_31 = tpu.memref_slice %arg3[%add3A_10, %dma_start3A] : memref<256x1024xi32, #tpu.memory_space<hbm>> -> memref<1x1024xi32, #tpu.memory_space<hbm>>
        %dma_start3A_32 = tpu.memref_squeeze %dma_start3A_31 : memref<1x1024xi32, #tpu.memory_space<hbm>> -> memref<1024xi32, #tpu.memory_space<hbm>>
        %dma_start3A_33 = arith.constant 0 : i32
        %dma_start3A_34 = tpu.memref_slice %arg3[%add3A_10, %dma_start3A_33] : memref<256x1024xi32, #tpu.memory_space<hbm>> -> memref<1x1024xi32, #tpu.memory_space<hbm>>
        %dma_start3A_35 = tpu.memref_squeeze %dma_start3A_34 : memref<1x1024xi32, #tpu.memory_space<hbm>> -> memref<1024xi32, #tpu.memory_space<hbm>>
        tpu.enqueue_dma source(%dma_start3A_35 : memref<1024xi32, #tpu.memory_space<hbm>>) target(%arg6 : memref<1024xi32, #tpu.memory_space<vmem>>) target_semaphore(%run_scoped3A : memref<!tpu.dma_semaphore, #tpu.memory_space<semaphore_mem>>)
        %dma_wait3A = arith.constant 0 : i32
        %dma_wait3A_36 = tpu.memref_slice %arg3[%add3A_10, %dma_wait3A] : memref<256x1024xi32, #tpu.memory_space<hbm>> -> memref<1x1024xi32, #tpu.memory_space<hbm>>
        %dma_wait3A_37 = tpu.memref_squeeze %dma_wait3A_36 : memref<1x1024xi32, #tpu.memory_space<hbm>> -> memref<1024xi32, #tpu.memory_space<hbm>>
        %dma_wait3A_38 = arith.constant 0 : i32
        %dma_wait3A_39 = tpu.memref_slice %arg3[%add3A_10, %dma_wait3A_38] : memref<256x1024xi32, #tpu.memory_space<hbm>> -> memref<1x1024xi32, #tpu.memory_space<hbm>>
        %dma_wait3A_40 = tpu.memref_squeeze %dma_wait3A_39 : memref<1x1024xi32, #tpu.memory_space<hbm>> -> memref<1024xi32, #tpu.memory_space<hbm>>
        tpu.wait_dma2 semaphore(%run_scoped3A : memref<!tpu.dma_semaphore, #tpu.memory_space<semaphore_mem>>) src(%dma_wait3A_40 : memref<1024xi32, #tpu.memory_space<hbm>>) dst(%arg6 : memref<1024xi32, #tpu.memory_space<vmem>>)
        tpu.yield
      }) : () -> ()
      %scan3A_13 = arith.constant 0 : i32
      %scan3A_14 = arith.constant 0 : i32
      %scan3A_15 = arith.constant 4 : i32
      %scan3A_16 = arith.addi %scan3A_14, %scan3A_15 : i32
      %scan3A_17 = arith.constant 1 : i32
      scf.for %scan3A_31 = %scan3A_14 to %scan3A_16 step %scan3A_17  : i32 {
        %mul3A_32 = arith.constant 16 : i32
        %mul3A_33 = arith.muli %scan3A_31, %mul3A_32 : i32
        %add3A_34 = arith.constant 704 : i32
        %add3A_35 = arith.addi %add3A_34, %mul3A_33 : i32
        %swap3A = arith.index_cast %add3A_35 : i32 to index
        %swap3A_36 = tpu.vector_load %arg7[%swap3A] {strides = array<i32>} : memref<768xi32, #tpu.memory_space<vmem>>, vector<16xi32>,
        tpu.vector_store %arg7[%swap3A], %broadcast_in_dim3A_1 {strides = array<i32>} : memref<768xi32, #tpu.memory_space<vmem>>, vector<16xi32>,
      }
      %scan3A_18 = arith.constant 4 : i32
      %scan3A_19 = arith.constant 0 : i32
      %scan3A_20 = arith.constant 0 : i32
      %scan3A_21 = arith.constant 64 : i32
      %scan3A_22 = arith.addi %scan3A_20, %scan3A_21 : i32
      %scan3A_23 = arith.constant 1 : i32
      scf.for %scan3A_31 = %scan3A_20 to %scan3A_22 step %scan3A_23  : i32 {
        %mul3A_32 = arith.constant 16 : i32
        %mul3A_33 = arith.muli %scan3A_31, %mul3A_32 : i32
        %get3A = arith.index_cast %mul3A_33 : i32 to index
        %get3A_34 = tpu.vector_load %arg6[%get3A] {strides = array<i32>} : memref<1024xi32, #tpu.memory_space<vmem>>, vector<16xi32>,
        %ge3A = arith.constant 0 : i32
        %ge3A_35 = vector.broadcast %ge3A : i32 to vector<16xi32>
        %ge3A_36 = arith.cmpi sge, %get3A_34, %ge3A_35 : vector<16xi32>
        %lt3A = arith.constant 768 : i32
        %lt3A_37 = vector.broadcast %lt3A : i32 to vector<16xi32>
        %lt3A_38 = arith.cmpi slt, %get3A_34, %lt3A_37 : vector<16xi32>
        %and3A = arith.andi %ge3A_36, %lt3A_38 : vector<16xi1>
        %jit3A = arith.constant 0 : i32
        %broadcast_in_dim3A_39 = vector.broadcast %jit3A : i32 to vector<16xi32>
        %select_n3A = arith.select %and3A, %get3A_34, %broadcast_in_dim3A_39 : vector<16xi1>, vector<16xi32>
        %mul3A_40 = arith.constant 16 : i32
        %mul3A_41 = arith.muli %scan3A_31, %mul3A_40 : i32
        %add3A_42 = vector.broadcast %mul3A_41 : i32 to vector<16xi32>
        %add3A_43 = arith.addi %iota3A, %add3A_42 : vector<16xi32>
        tpu.vector_store_idx %arg7[%select_n3A], %add3A_43 masked %and3A : memref<768xi32, #tpu.memory_space<vmem>>[vector<16xi32>], vector<16xi32>, vector<16xi1>
      }
      %scan3A_24 = arith.constant 64 : i32
      %scan3A_25 = arith.constant 0 : i32
      %scan3A_26 = arith.constant 0 : i32
      %scan3A_27 = arith.constant 12 : i32
      %scan3A_28 = arith.addi %scan3A_26, %scan3A_27 : i32
      %scan3A_29 = arith.constant 1 : i32
      scf.for %scan3A_31 = %scan3A_26 to %scan3A_28 step %scan3A_29  : i32 {
        %scan3A_32 = arith.constant 0 : i32
        %scan3A_33 = arith.constant 0 : i32
        %scan3A_34 = arith.constant 4 : i32
        %scan3A_35 = arith.addi %scan3A_33, %scan3A_34 : i32
        %scan3A_36 = arith.constant 1 : i32
        scf.for %scan3A_52 = %scan3A_33 to %scan3A_35 step %scan3A_36  : i32 {
          %mul3A_53 = arith.constant 64 : i32
          %mul3A_54 = arith.muli %scan3A_31, %mul3A_53 : i32
          %mul3A_55 = arith.constant 16 : i32
          %mul3A_56 = arith.muli %scan3A_52, %mul3A_55 : i32
          %add3A_57 = arith.addi %mul3A_54, %mul3A_56 : i32
          %get3A = arith.index_cast %add3A_57 : i32 to index
          %get3A_58 = tpu.vector_load %arg7[%get3A] {strides = array<i32>} : memref<768xi32, #tpu.memory_space<vmem>>, vector<16xi32>,
          %mul3A_59 = arith.constant 16 : i32
          %mul3A_60 = arith.muli %scan3A_52, %mul3A_59 : i32
          %add3A_61 = vector.broadcast %mul3A_60 : i32 to vector<16xi32>
          %add3A_62 = arith.addi %add3A_61, %iota3A : vector<16xi32>
          %broadcast_in_dim3A_63 = arith.constant 0 : i32
          %broadcast_in_dim3A_64 = vector.broadcast %broadcast_in_dim3A_63 : i32 to vector<16xi32>
          %gather3A = tpu.vector_load_idx %arg5[%broadcast_in_dim3A_64, %get3A_58] : memref<96x1024xf32, #tpu.memory_space<vmem>>[vector<16xi32>, vector<16xi32>], vector<16xf32>,
          tpu.vector_store_idx %arg8[%add3A_62, %broadcast_in_dim3A_64], %gather3A : memref<64x96xf32, #tpu.memory_space<vmem>>[vector<16xi32>, vector<16xi32>], vector<16xf32>,
          %broadcast_in_dim3A_65 = arith.constant 1 : i32
          %broadcast_in_dim3A_66 = vector.broadcast %broadcast_in_dim3A_65 : i32 to vector<16xi32>
          %gather3A_67 = tpu.vector_load_idx %arg5[%broadcast_in_dim3A_66, %get3A_58] : memref<96x1024xf32, #tpu.memory_space<vmem>>[vector<16xi32>, vector<16xi32>], vector<16xf32>,
          tpu.vector_store_idx %arg8[%add3A_62, %broadcast_in_dim3A_66], %gather3A_67 : memref<64x96xf32, #tpu.memory_space<vmem>>[vector<16xi32>, vector<16xi32>], vector<16xf32>,
          %broadcast_in_dim3A_68 = arith.constant 2 : i32
          %broadcast_in_dim3A_69 = vector.broadcast %broadcast_in_dim3A_68 : i32 to vector<16xi32>
          %gather3A_70 = tpu.vector_load_idx %arg5[%broadcast_in_dim3A_69, %get3A_58] : memref<96x1024xf32, #tpu.memory_space<vmem>>[vector<16xi32>, vector<16xi32>], vector<16xf32>,
          tpu.vector_store_idx %arg8[%add3A_62, %broadcast_in_dim3A_69], %gather3A_70 : memref<64x96xf32, #tpu.memory_space<vmem>>[vector<16xi32>, vector<16xi32>], vector<16xf32>,
          %broadcast_in_dim3A_71 = arith.constant 3 : i32
          %broadcast_in_dim3A_72 = vector.broadcast %broadcast_in_dim3A_71 : i32 to vector<16xi32>
          %gather3A_73 = tpu.vector_load_idx %arg5[%broadcast_in_dim3A_72, %get3A_58] : memref<96x1024xf32, #tpu.memory_space<vmem>>[vector<16xi32>, vector<16xi32>], vector<16xf32>,
          tpu.vector_store_idx %arg8[%add3A_62, %broadcast_in_dim3A_72], %gather3A_73 : memref<64x96xf32, #tpu.memory_space<vmem>>[vector<16xi32>, vector<16xi32>], vector<16xf32>,
          %broadcast_in_dim3A_74 = arith.constant 4 : i32
          %broadcast_in_dim3A_75 = vector.broadcast %broadcast_in_dim3A_74 : i32 to vector<16xi32>
          %gather3A_76 = tpu.vector_load_idx %arg5[%broadcast_in_dim3A_75, %get3A_58] : memref<96x1024xf32, #tpu.memory_space<vmem>>[vector<16xi32>, vector<16xi32>], vector<16xf32>,
          tpu.vector_store_idx %arg8[%add3A_62, %broadcast_in_dim3A_75], %gather3A_76 : memref<64x96xf32, #tpu.memory_space<vmem>>[vector<16xi32>, vector<16xi32>], vector<16xf32>,
          %broadcast_in_dim3A_77 = arith.constant 5 : i32
          %broadcast_in_dim3A_78 = vector.broadcast %broadcast_in_dim3A_77 : i32 to vector<16xi32>
          %gather3A_79 = tpu.vector_load_idx %arg5[%broadcast_in_dim3A_78, %get3A_58] : memref<96x1024xf32, #tpu.memory_space<vmem>>[vector<16xi32>, vector<16xi32>], vector<16xf32>,
          tpu.vector_store_idx %arg8[%add3A_62, %broadcast_in_dim3A_78], %gather3A_79 : memref<64x96xf32, #tpu.memory_space<vmem>>[vector<16xi32>, vector<16xi32>], vector<16xf32>,
          %broadcast_in_dim3A_80 = arith.constant 6 : i32
          %broadcast_in_dim3A_81 = vector.broadcast %broadcast_in_dim3A_80 : i32 to vector<16xi32>
          %gather3A_82 = tpu.vector_load_idx %arg5[%broadcast_in_dim3A_81, %get3A_58] : memref<96x1024xf32, #tpu.memory_space<vmem>>[vector<16xi32>, vector<16xi32>], vector<16xf32>,
          tpu.vector_store_idx %arg8[%add3A_62, %broadcast_in_dim3A_81], %gather3A_82 : memref<64x96xf32, #tpu.memory_space<vmem>>[vector<16xi32>, vector<16xi32>], vector<16xf32>,
          %broadcast_in_dim3A_83 = arith.constant 7 : i32
          %broadcast_in_dim3A_84 = vector.broadcast %broadcast_in_dim3A_83 : i32 to vector<16xi32>
          %gather3A_85 = tpu.vector_load_idx %arg5[%broadcast_in_dim3A_84, %get3A_58] : memref<96x1024xf32, #tpu.memory_space<vmem>>[vector<16xi32>, vector<16xi32>], vector<16xf32>,
          tpu.vector_store_idx %arg8[%add3A_62, %broadcast_in_dim3A_84], %gather3A_85 : memref<64x96xf32, #tpu.memory_space<vmem>>[vector<16xi32>, vector<16xi32>], vector<16xf32>,
          %broadcast_in_dim3A_86 = arith.constant 8 : i32
          %broadcast_in_dim3A_87 = vector.broadcast %broadcast_in_dim3A_86 : i32 to vector<16xi32>
          %gather3A_88 = tpu.vector_load_idx %arg5[%broadcast_in_dim3A_87, %get3A_58] : memref<96x1024xf32, #tpu.memory_space<vmem>>[vector<16xi32>, vector<16xi32>], vector<16xf32>,
          tpu.vector_store_idx %arg8[%add3A_62, %broadcast_in_dim3A_87], %gather3A_88 : memref<64x96xf32, #tpu.memory_space<vmem>>[vector<16xi32>, vector<16xi32>], vector<16xf32>,
          %broadcast_in_dim3A_89 = arith.constant 9 : i32
          %broadcast_in_dim3A_90 = vector.broadcast %broadcast_in_dim3A_89 : i32 to vector<16xi32>
          %gather3A_91 = tpu.vector_load_idx %arg5[%broadcast_in_dim3A_90, %get3A_58] : memref<96x1024xf32, #tpu.memory_space<vmem>>[vector<16xi32>, vector<16xi32>], vector<16xf32>,
          tpu.vector_store_idx %arg8[%add3A_62, %broadcast_in_dim3A_90], %gather3A_91 : memref<64x96xf32, #tpu.memory_space<vmem>>[vector<16xi32>, vector<16xi32>], vector<16xf32>,
          %broadcast_in_dim3A_92 = arith.constant 10 : i32
          %broadcast_in_dim3A_93 = vector.broadcast %broadcast_in_dim3A_92 : i32 to vector<16xi32>
          %gather3A_94 = tpu.vector_load_idx %arg5[%broadcast_in_dim3A_93, %get3A_58] : memref<96x1024xf32, #tpu.memory_space<vmem>>[vector<16xi32>, vector<16xi32>], vector<16xf32>,
          tpu.vector_store_idx %arg8[%add3A_62, %broadcast_in_dim3A_93], %gather3A_94 : memref<64x96xf32, #tpu.memory_space<vmem>>[vector<16xi32>, vector<16xi32>], vector<16xf32>,
          %broadcast_in_dim3A_95 = arith.constant 11 : i32
          %broadcast_in_dim3A_96 = vector.broadcast %broadcast_in_dim3A_95 : i32 to vector<16xi32>
          %gather3A_97 = tpu.vector_load_idx %arg5[%broadcast_in_dim3A_96, %get3A_58] : memref<96x1024xf32, #tpu.memory_space<vmem>>[vector<16xi32>, vector<16xi32>], vector<16xf32>,
          tpu.vector_store_idx %arg8[%add3A_62, %broadcast_in_dim3A_96], %gather3A_97 : memref<64x96xf32, #tpu.memory_space<vmem>>[vector<16xi32>, vector<16xi32>], vector<16xf32>,
          %broadcast_in_dim3A_98 = arith.constant 12 : i32
          %broadcast_in_dim3A_99 = vector.broadcast %broadcast_in_dim3A_98 : i32 to vector<16xi32>
          %gather3A_100 = tpu.vector_load_idx %arg5[%broadcast_in_dim3A_99, %get3A_58] : memref<96x1024xf32, #tpu.memory_space<vmem>>[vector<16xi32>, vector<16xi32>], vector<16xf32>,
          tpu.vector_store_idx %arg8[%add3A_62, %broadcast_in_dim3A_99], %gather3A_100 : memref<64x96xf32, #tpu.memory_space<vmem>>[vector<16xi32>, vector<16xi32>], vector<16xf32>,
          %broadcast_in_dim3A_101 = arith.constant 13 : i32
          %broadcast_in_dim3A_102 = vector.broadcast %broadcast_in_dim3A_101 : i32 to vector<16xi32>
          %gather3A_103 = tpu.vector_load_idx %arg5[%broadcast_in_dim3A_102, %get3A_58] : memref<96x1024xf32, #tpu.memory_space<vmem>>[vector<16xi32>, vector<16xi32>], vector<16xf32>,
          tpu.vector_store_idx %arg8[%add3A_62, %broadcast_in_dim3A_102], %gather3A_103 : memref<64x96xf32, #tpu.memory_space<vmem>>[vector<16xi32>, vector<16xi32>], vector<16xf32>,
          %broadcast_in_dim3A_104 = arith.constant 14 : i32
          %broadcast_in_dim3A_105 = vector.broadcast %broadcast_in_dim3A_104 : i32 to vector<16xi32>
          %gather3A_106 = tpu.vector_load_idx %arg5[%broadcast_in_dim3A_105, %get3A_58] : memref<96x1024xf32, #tpu.memory_space<vmem>>[vector<16xi32>, vector<16xi32>], vector<16xf32>,
          tpu.vector_store_idx %arg8[%add3A_62, %broadcast_in_dim3A_105], %gather3A_106 : memref<64x96xf32, #tpu.memory_space<vmem>>[vector<16xi32>, vector<16xi32>], vector<16xf32>,
          %broadcast_in_dim3A_107 = arith.constant 15 : i32
          %broadcast_in_dim3A_108 = vector.broadcast %broadcast_in_dim3A_107 : i32 to vector<16xi32>
          %gather3A_109 = tpu.vector_load_idx %arg5[%broadcast_in_dim3A_108, %get3A_58] : memref<96x1024xf32, #tpu.memory_space<vmem>>[vector<16xi32>, vector<16xi32>], vector<16xf32>,
          tpu.vector_store_idx %arg8[%add3A_62, %broadcast_in_dim3A_108], %gather3A_109 : memref<64x96xf32, #tpu.memory_space<vmem>>[vector<16xi32>, vector<16xi32>], vector<16xf32>,
          %broadcast_in_dim3A_110 = arith.constant 16 : i32
          %broadcast_in_dim3A_111 = vector.broadcast %broadcast_in_dim3A_110 : i32 to vector<16xi32>
          %gather3A_112 = tpu.vector_load_idx %arg5[%broadcast_in_dim3A_111, %get3A_58] : memref<96x1024xf32, #tpu.memory_space<vmem>>[vector<16xi32>, vector<16xi32>], vector<16xf32>,
          tpu.vector_store_idx %arg8[%add3A_62, %broadcast_in_dim3A_111], %gather3A_112 : memref<64x96xf32, #tpu.memory_space<vmem>>[vector<16xi32>, vector<16xi32>], vector<16xf32>,
          %broadcast_in_dim3A_113 = arith.constant 17 : i32
          %broadcast_in_dim3A_114 = vector.broadcast %broadcast_in_dim3A_113 : i32 to vector<16xi32>
          %gather3A_115 = tpu.vector_load_idx %arg5[%broadcast_in_dim3A_114, %get3A_58] : memref<96x1024xf32, #tpu.memory_space<vmem>>[vector<16xi32>, vector<16xi32>], vector<16xf32>,
          tpu.vector_store_idx %arg8[%add3A_62, %broadcast_in_dim3A_114], %gather3A_115 : memref<64x96xf32, #tpu.memory_space<vmem>>[vector<16xi32>, vector<16xi32>], vector<16xf32>,
          %broadcast_in_dim3A_116 = arith.constant 18 : i32
          %broadcast_in_dim3A_117 = vector.broadcast %broadcast_in_dim3A_116 : i32 to vector<16xi32>
          %gather3A_118 = tpu.vector_load_idx %arg5[%broadcast_in_dim3A_117, %get3A_58] : memref<96x1024xf32, #tpu.memory_space<vmem>>[vector<16xi32>, vector<16xi32>], vector<16xf32>,
          tpu.vector_store_idx %arg8[%add3A_62, %broadcast_in_dim3A_117], %gather3A_118 : memref<64x96xf32, #tpu.memory_space<vmem>>[vector<16xi32>, vector<16xi32>], vector<16xf32>,
          %broadcast_in_dim3A_119 = arith.constant 19 : i32
          %broadcast_in_dim3A_120 = vector.broadcast %broadcast_in_dim3A_119 : i32 to vector<16xi32>
          %gather3A_121 = tpu.vector_load_idx %arg5[%broadcast_in_dim3A_120, %get3A_58] : memref<96x1024xf32, #tpu.memory_space<vmem>>[vector<16xi32>, vector<16xi32>], vector<16xf32>,
          tpu.vector_store_idx %arg8[%add3A_62, %broadcast_in_dim3A_120], %gather3A_121 : memref<64x96xf32, #tpu.memory_space<vmem>>[vector<16xi32>, vector<16xi32>], vector<16xf32>,
          %broadcast_in_dim3A_122 = arith.constant 20 : i32
          %broadcast_in_dim3A_123 = vector.broadcast %broadcast_in_dim3A_122 : i32 to vector<16xi32>
          %gather3A_124 = tpu.vector_load_idx %arg5[%broadcast_in_dim3A_123, %get3A_58] : memref<96x1024xf32, #tpu.memory_space<vmem>>[vector<16xi32>, vector<16xi32>], vector<16xf32>,
          tpu.vector_store_idx %arg8[%add3A_62, %broadcast_in_dim3A_123], %gather3A_124 : memref<64x96xf32, #tpu.memory_space<vmem>>[vector<16xi32>, vector<16xi32>], vector<16xf32>,
          %broadcast_in_dim3A_125 = arith.constant 21 : i32
          %broadcast_in_dim3A_126 = vector.broadcast %broadcast_in_dim3A_125 : i32 to vector<16xi32>
          %gather3A_127 = tpu.vector_load_idx %arg5[%broadcast_in_dim3A_126, %get3A_58] : memref<96x1024xf32, #tpu.memory_space<vmem>>[vector<16xi32>, vector<16xi32>], vector<16xf32>,
          tpu.vector_store_idx %arg8[%add3A_62, %broadcast_in_dim3A_126], %gather3A_127 : memref<64x96xf32, #tpu.memory_space<vmem>>[vector<16xi32>, vector<16xi32>], vector<16xf32>,
          %broadcast_in_dim3A_128 = arith.constant 22 : i32
          %broadcast_in_dim3A_129 = vector.broadcast %broadcast_in_dim3A_128 : i32 to vector<16xi32>
          %gather3A_130 = tpu.vector_load_idx %arg5[%broadcast_in_dim3A_129, %get3A_58] : memref<96x1024xf32, #tpu.memory_space<vmem>>[vector<16xi32>, vector<16xi32>], vector<16xf32>,
          tpu.vector_store_idx %arg8[%add3A_62, %broadcast_in_dim3A_129], %gather3A_130 : memref<64x96xf32, #tpu.memory_space<vmem>>[vector<16xi32>, vector<16xi32>], vector<16xf32>,
          %broadcast_in_dim3A_131 = arith.constant 23 : i32
          %broadcast_in_dim3A_132 = vector.broadcast %broadcast_in_dim3A_131 : i32 to vector<16xi32>
          %gather3A_133 = tpu.vector_load_idx %arg5[%broadcast_in_dim3A_132, %get3A_58] : memref<96x1024xf32, #tpu.memory_space<vmem>>[vector<16xi32>, vector<16xi32>], vector<16xf32>,
          tpu.vector_store_idx %arg8[%add3A_62, %broadcast_in_dim3A_132], %gather3A_133 : memref<64x96xf32, #tpu.memory_space<vmem>>[vector<16xi32>, vector<16xi32>], vector<16xf32>,
          %broadcast_in_dim3A_134 = arith.constant 24 : i32
          %broadcast_in_dim3A_135 = vector.broadcast %broadcast_in_dim3A_134 : i32 to vector<16xi32>
          %gather3A_136 = tpu.vector_load_idx %arg5[%broadcast_in_dim3A_135, %get3A_58] : memref<96x1024xf32, #tpu.memory_space<vmem>>[vector<16xi32>, vector<16xi32>], vector<16xf32>,
          tpu.vector_store_idx %arg8[%add3A_62, %broadcast_in_dim3A_135], %gather3A_136 : memref<64x96xf32, #tpu.memory_space<vmem>>[vector<16xi32>, vector<16xi32>], vector<16xf32>,
          %broadcast_in_dim3A_137 = arith.constant 25 : i32
          %broadcast_in_dim3A_138 = vector.broadcast %broadcast_in_dim3A_137 : i32 to vector<16xi32>
          %gather3A_139 = tpu.vector_load_idx %arg5[%broadcast_in_dim3A_138, %get3A_58] : memref<96x1024xf32, #tpu.memory_space<vmem>>[vector<16xi32>, vector<16xi32>], vector<16xf32>,
          tpu.vector_store_idx %arg8[%add3A_62, %broadcast_in_dim3A_138], %gather3A_139 : memref<64x96xf32, #tpu.memory_space<vmem>>[vector<16xi32>, vector<16xi32>], vector<16xf32>,
          %broadcast_in_dim3A_140 = arith.constant 26 : i32
          %broadcast_in_dim3A_141 = vector.broadcast %broadcast_in_dim3A_140 : i32 to vector<16xi32>
          %gather3A_142 = tpu.vector_load_idx %arg5[%broadcast_in_dim3A_141, %get3A_58] : memref<96x1024xf32, #tpu.memory_space<vmem>>[vector<16xi32>, vector<16xi32>], vector<16xf32>,
          tpu.vector_store_idx %arg8[%add3A_62, %broadcast_in_dim3A_141], %gather3A_142 : memref<64x96xf32, #tpu.memory_space<vmem>>[vector<16xi32>, vector<16xi32>], vector<16xf32>,
          %broadcast_in_dim3A_143 = arith.constant 27 : i32
          %broadcast_in_dim3A_144 = vector.broadcast %broadcast_in_dim3A_143 : i32 to vector<16xi32>
          %gather3A_145 = tpu.vector_load_idx %arg5[%broadcast_in_dim3A_144, %get3A_58] : memref<96x1024xf32, #tpu.memory_space<vmem>>[vector<16xi32>, vector<16xi32>], vector<16xf32>,
          tpu.vector_store_idx %arg8[%add3A_62, %broadcast_in_dim3A_144], %gather3A_145 : memref<64x96xf32, #tpu.memory_space<vmem>>[vector<16xi32>, vector<16xi32>], vector<16xf32>,
          %broadcast_in_dim3A_146 = arith.constant 28 : i32
          %broadcast_in_dim3A_147 = vector.broadcast %broadcast_in_dim3A_146 : i32 to vector<16xi32>
          %gather3A_148 = tpu.vector_load_idx %arg5[%broadcast_in_dim3A_147, %get3A_58] : memref<96x1024xf32, #tpu.memory_space<vmem>>[vector<16xi32>, vector<16xi32>], vector<16xf32>,
          tpu.vector_store_idx %arg8[%add3A_62, %broadcast_in_dim3A_147], %gather3A_148 : memref<64x96xf32, #tpu.memory_space<vmem>>[vector<16xi32>, vector<16xi32>], vector<16xf32>,
          %broadcast_in_dim3A_149 = arith.constant 29 : i32
          %broadcast_in_dim3A_150 = vector.broadcast %broadcast_in_dim3A_149 : i32 to vector<16xi32>
          %gather3A_151 = tpu.vector_load_idx %arg5[%broadcast_in_dim3A_150, %get3A_58] : memref<96x1024xf32, #tpu.memory_space<vmem>>[vector<16xi32>, vector<16xi32>], vector<16xf32>,
          tpu.vector_store_idx %arg8[%add3A_62, %broadcast_in_dim3A_150], %gather3A_151 : memref<64x96xf32, #tpu.memory_space<vmem>>[vector<16xi32>, vector<16xi32>], vector<16xf32>,
          %broadcast_in_dim3A_152 = arith.constant 30 : i32
          %broadcast_in_dim3A_153 = vector.broadcast %broadcast_in_dim3A_152 : i32 to vector<16xi32>
          %gather3A_154 = tpu.vector_load_idx %arg5[%broadcast_in_dim3A_153, %get3A_58] : memref<96x1024xf32, #tpu.memory_space<vmem>>[vector<16xi32>, vector<16xi32>], vector<16xf32>,
          tpu.vector_store_idx %arg8[%add3A_62, %broadcast_in_dim3A_153], %gather3A_154 : memref<64x96xf32, #tpu.memory_space<vmem>>[vector<16xi32>, vector<16xi32>], vector<16xf32>,
          %broadcast_in_dim3A_155 = arith.constant 31 : i32
          %broadcast_in_dim3A_156 = vector.broadcast %broadcast_in_dim3A_155 : i32 to vector<16xi32>
          %gather3A_157 = tpu.vector_load_idx %arg5[%broadcast_in_dim3A_156, %get3A_58] : memref<96x1024xf32, #tpu.memory_space<vmem>>[vector<16xi32>, vector<16xi32>], vector<16xf32>,
          tpu.vector_store_idx %arg8[%add3A_62, %broadcast_in_dim3A_156], %gather3A_157 : memref<64x96xf32, #tpu.memory_space<vmem>>[vector<16xi32>, vector<16xi32>], vector<16xf32>,
          %broadcast_in_dim3A_158 = arith.constant 32 : i32
          %broadcast_in_dim3A_159 = vector.broadcast %broadcast_in_dim3A_158 : i32 to vector<16xi32>
          %gather3A_160 = tpu.vector_load_idx %arg5[%broadcast_in_dim3A_159, %get3A_58] : memref<96x1024xf32, #tpu.memory_space<vmem>>[vector<16xi32>, vector<16xi32>], vector<16xf32>,
          tpu.vector_store_idx %arg8[%add3A_62, %broadcast_in_dim3A_159], %gather3A_160 : memref<64x96xf32, #tpu.memory_space<vmem>>[vector<16xi32>, vector<16xi32>], vector<16xf32>,
          %broadcast_in_dim3A_161 = arith.constant 33 : i32
          %broadcast_in_dim3A_162 = vector.broadcast %broadcast_in_dim3A_161 : i32 to vector<16xi32>
          %gather3A_163 = tpu.vector_load_idx %arg5[%broadcast_in_dim3A_162, %get3A_58] : memref<96x1024xf32, #tpu.memory_space<vmem>>[vector<16xi32>, vector<16xi32>], vector<16xf32>,
          tpu.vector_store_idx %arg8[%add3A_62, %broadcast_in_dim3A_162], %gather3A_163 : memref<64x96xf32, #tpu.memory_space<vmem>>[vector<16xi32>, vector<16xi32>], vector<16xf32>,
          %broadcast_in_dim3A_164 = arith.constant 34 : i32
          %broadcast_in_dim3A_165 = vector.broadcast %broadcast_in_dim3A_164 : i32 to vector<16xi32>
          %gather3A_166 = tpu.vector_load_idx %arg5[%broadcast_in_dim3A_165, %get3A_58] : memref<96x1024xf32, #tpu.memory_space<vmem>>[vector<16xi32>, vector<16xi32>], vector<16xf32>,
          tpu.vector_store_idx %arg8[%add3A_62, %broadcast_in_dim3A_165], %gather3A_166 : memref<64x96xf32, #tpu.memory_space<vmem>>[vector<16xi32>, vector<16xi32>], vector<16xf32>,
          %broadcast_in_dim3A_167 = arith.constant 35 : i32
          %broadcast_in_dim3A_168 = vector.broadcast %broadcast_in_dim3A_167 : i32 to vector<16xi32>
          %gather3A_169 = tpu.vector_load_idx %arg5[%broadcast_in_dim3A_168, %get3A_58] : memref<96x1024xf32, #tpu.memory_space<vmem>>[vector<16xi32>, vector<16xi32>], vector<16xf32>,
          tpu.vector_store_idx %arg8[%add3A_62, %broadcast_in_dim3A_168], %gather3A_169 : memref<64x96xf32, #tpu.memory_space<vmem>>[vector<16xi32>, vector<16xi32>], vector<16xf32>,
          %broadcast_in_dim3A_170 = arith.constant 36 : i32
          %broadcast_in_dim3A_171 = vector.broadcast %broadcast_in_dim3A_170 : i32 to vector<16xi32>
          %gather3A_172 = tpu.vector_load_idx %arg5[%broadcast_in_dim3A_171, %get3A_58] : memref<96x1024xf32, #tpu.memory_space<vmem>>[vector<16xi32>, vector<16xi32>], vector<16xf32>,
          tpu.vector_store_idx %arg8[%add3A_62, %broadcast_in_dim3A_171], %gather3A_172 : memref<64x96xf32, #tpu.memory_space<vmem>>[vector<16xi32>, vector<16xi32>], vector<16xf32>,
          %broadcast_in_dim3A_173 = arith.constant 37 : i32
          %broadcast_in_dim3A_174 = vector.broadcast %broadcast_in_dim3A_173 : i32 to vector<16xi32>
          %gather3A_175 = tpu.vector_load_idx %arg5[%broadcast_in_dim3A_174, %get3A_58] : memref<96x1024xf32, #tpu.memory_space<vmem>>[vector<16xi32>, vector<16xi32>], vector<16xf32>,
          tpu.vector_store_idx %arg8[%add3A_62, %broadcast_in_dim3A_174], %gather3A_175 : memref<64x96xf32, #tpu.memory_space<vmem>>[vector<16xi32>, vector<16xi32>], vector<16xf32>,
          %broadcast_in_dim3A_176 = arith.constant 38 : i32
          %broadcast_in_dim3A_177 = vector.broadcast %broadcast_in_dim3A_176 : i32 to vector<16xi32>
          %gather3A_178 = tpu.vector_load_idx %arg5[%broadcast_in_dim3A_177, %get3A_58] : memref<96x1024xf32, #tpu.memory_space<vmem>>[vector<16xi32>, vector<16xi32>], vector<16xf32>,
          tpu.vector_store_idx %arg8[%add3A_62, %broadcast_in_dim3A_177], %gather3A_178 : memref<64x96xf32, #tpu.memory_space<vmem>>[vector<16xi32>, vector<16xi32>], vector<16xf32>,
          %broadcast_in_dim3A_179 = arith.constant 39 : i32
          %broadcast_in_dim3A_180 = vector.broadcast %broadcast_in_dim3A_179 : i32 to vector<16xi32>
          %gather3A_181 = tpu.vector_load_idx %arg5[%broadcast_in_dim3A_180, %get3A_58] : memref<96x1024xf32, #tpu.memory_space<vmem>>[vector<16xi32>, vector<16xi32>], vector<16xf32>,
          tpu.vector_store_idx %arg8[%add3A_62, %broadcast_in_dim3A_180], %gather3A_181 : memref<64x96xf32, #tpu.memory_space<vmem>>[vector<16xi32>, vector<16xi32>], vector<16xf32>,
          %broadcast_in_dim3A_182 = arith.constant 40 : i32
          %broadcast_in_dim3A_183 = vector.broadcast %broadcast_in_dim3A_182 : i32 to vector<16xi32>
          %gather3A_184 = tpu.vector_load_idx %arg5[%broadcast_in_dim3A_183, %get3A_58] : memref<96x1024xf32, #tpu.memory_space<vmem>>[vector<16xi32>, vector<16xi32>], vector<16xf32>,
          tpu.vector_store_idx %arg8[%add3A_62, %broadcast_in_dim3A_183], %gather3A_184 : memref<64x96xf32, #tpu.memory_space<vmem>>[vector<16xi32>, vector<16xi32>], vector<16xf32>,
          %broadcast_in_dim3A_185 = arith.constant 41 : i32
          %broadcast_in_dim3A_186 = vector.broadcast %broadcast_in_dim3A_185 : i32 to vector<16xi32>
          %gather3A_187 = tpu.vector_load_idx %arg5[%broadcast_in_dim3A_186, %get3A_58] : memref<96x1024xf32, #tpu.memory_space<vmem>>[vector<16xi32>, vector<16xi32>], vector<16xf32>,
          tpu.vector_store_idx %arg8[%add3A_62, %broadcast_in_dim3A_186], %gather3A_187 : memref<64x96xf32, #tpu.memory_space<vmem>>[vector<16xi32>, vector<16xi32>], vector<16xf32>,
          %broadcast_in_dim3A_188 = arith.constant 42 : i32
          %broadcast_in_dim3A_189 = vector.broadcast %broadcast_in_dim3A_188 : i32 to vector<16xi32>
          %gather3A_190 = tpu.vector_load_idx %arg5[%broadcast_in_dim3A_189, %get3A_58] : memref<96x1024xf32, #tpu.memory_space<vmem>>[vector<16xi32>, vector<16xi32>], vector<16xf32>,
          tpu.vector_store_idx %arg8[%add3A_62, %broadcast_in_dim3A_189], %gather3A_190 : memref<64x96xf32, #tpu.memory_space<vmem>>[vector<16xi32>, vector<16xi32>], vector<16xf32>,
          %broadcast_in_dim3A_191 = arith.constant 43 : i32
          %broadcast_in_dim3A_192 = vector.broadcast %broadcast_in_dim3A_191 : i32 to vector<16xi32>
          %gather3A_193 = tpu.vector_load_idx %arg5[%broadcast_in_dim3A_192, %get3A_58] : memref<96x1024xf32, #tpu.memory_space<vmem>>[vector<16xi32>, vector<16xi32>], vector<16xf32>,
          tpu.vector_store_idx %arg8[%add3A_62, %broadcast_in_dim3A_192], %gather3A_193 : memref<64x96xf32, #tpu.memory_space<vmem>>[vector<16xi32>, vector<16xi32>], vector<16xf32>,
          %broadcast_in_dim3A_194 = arith.constant 44 : i32
          %broadcast_in_dim3A_195 = vector.broadcast %broadcast_in_dim3A_194 : i32 to vector<16xi32>
          %gather3A_196 = tpu.vector_load_idx %arg5[%broadcast_in_dim3A_195, %get3A_58] : memref<96x1024xf32, #tpu.memory_space<vmem>>[vector<16xi32>, vector<16xi32>], vector<16xf32>,
          tpu.vector_store_idx %arg8[%add3A_62, %broadcast_in_dim3A_195], %gather3A_196 : memref<64x96xf32, #tpu.memory_space<vmem>>[vector<16xi32>, vector<16xi32>], vector<16xf32>,
          %broadcast_in_dim3A_197 = arith.constant 45 : i32
          %broadcast_in_dim3A_198 = vector.broadcast %broadcast_in_dim3A_197 : i32 to vector<16xi32>
          %gather3A_199 = tpu.vector_load_idx %arg5[%broadcast_in_dim3A_198, %get3A_58] : memref<96x1024xf32, #tpu.memory_space<vmem>>[vector<16xi32>, vector<16xi32>], vector<16xf32>,
          tpu.vector_store_idx %arg8[%add3A_62, %broadcast_in_dim3A_198], %gather3A_199 : memref<64x96xf32, #tpu.memory_space<vmem>>[vector<16xi32>, vector<16xi32>], vector<16xf32>,
          %broadcast_in_dim3A_200 = arith.constant 46 : i32
          %broadcast_in_dim3A_201 = vector.broadcast %broadcast_in_dim3A_200 : i32 to vector<16xi32>
          %gather3A_202 = tpu.vector_load_idx %arg5[%broadcast_in_dim3A_201, %get3A_58] : memref<96x1024xf32, #tpu.memory_space<vmem>>[vector<16xi32>, vector<16xi32>], vector<16xf32>,
          tpu.vector_store_idx %arg8[%add3A_62, %broadcast_in_dim3A_201], %gather3A_202 : memref<64x96xf32, #tpu.memory_space<vmem>>[vector<16xi32>, vector<16xi32>], vector<16xf32>,
          %broadcast_in_dim3A_203 = arith.constant 47 : i32
          %broadcast_in_dim3A_204 = vector.broadcast %broadcast_in_dim3A_203 : i32 to vector<16xi32>
          %gather3A_205 = tpu.vector_load_idx %arg5[%broadcast_in_dim3A_204, %get3A_58] : memref<96x1024xf32, #tpu.memory_space<vmem>>[vector<16xi32>, vector<16xi32>], vector<16xf32>,
          tpu.vector_store_idx %arg8[%add3A_62, %broadcast_in_dim3A_204], %gather3A_205 : memref<64x96xf32, #tpu.memory_space<vmem>>[vector<16xi32>, vector<16xi32>], vector<16xf32>,
          %broadcast_in_dim3A_206 = arith.constant 48 : i32
          %broadcast_in_dim3A_207 = vector.broadcast %broadcast_in_dim3A_206 : i32 to vector<16xi32>
          %gather3A_208 = tpu.vector_load_idx %arg5[%broadcast_in_dim3A_207, %get3A_58] : memref<96x1024xf32, #tpu.memory_space<vmem>>[vector<16xi32>, vector<16xi32>], vector<16xf32>,
          tpu.vector_store_idx %arg8[%add3A_62, %broadcast_in_dim3A_207], %gather3A_208 : memref<64x96xf32, #tpu.memory_space<vmem>>[vector<16xi32>, vector<16xi32>], vector<16xf32>,
          %broadcast_in_dim3A_209 = arith.constant 49 : i32
          %broadcast_in_dim3A_210 = vector.broadcast %broadcast_in_dim3A_209 : i32 to vector<16xi32>
          %gather3A_211 = tpu.vector_load_idx %arg5[%broadcast_in_dim3A_210, %get3A_58] : memref<96x1024xf32, #tpu.memory_space<vmem>>[vector<16xi32>, vector<16xi32>], vector<16xf32>,
          tpu.vector_store_idx %arg8[%add3A_62, %broadcast_in_dim3A_210], %gather3A_211 : memref<64x96xf32, #tpu.memory_space<vmem>>[vector<16xi32>, vector<16xi32>], vector<16xf32>,
          %broadcast_in_dim3A_212 = arith.constant 50 : i32
          %broadcast_in_dim3A_213 = vector.broadcast %broadcast_in_dim3A_212 : i32 to vector<16xi32>
          %gather3A_214 = tpu.vector_load_idx %arg5[%broadcast_in_dim3A_213, %get3A_58] : memref<96x1024xf32, #tpu.memory_space<vmem>>[vector<16xi32>, vector<16xi32>], vector<16xf32>,
          tpu.vector_store_idx %arg8[%add3A_62, %broadcast_in_dim3A_213], %gather3A_214 : memref<64x96xf32, #tpu.memory_space<vmem>>[vector<16xi32>, vector<16xi32>], vector<16xf32>,
          %broadcast_in_dim3A_215 = arith.constant 51 : i32
          %broadcast_in_dim3A_216 = vector.broadcast %broadcast_in_dim3A_215 : i32 to vector<16xi32>
          %gather3A_217 = tpu.vector_load_idx %arg5[%broadcast_in_dim3A_216, %get3A_58] : memref<96x1024xf32, #tpu.memory_space<vmem>>[vector<16xi32>, vector<16xi32>], vector<16xf32>,
          tpu.vector_store_idx %arg8[%add3A_62, %broadcast_in_dim3A_216], %gather3A_217 : memref<64x96xf32, #tpu.memory_space<vmem>>[vector<16xi32>, vector<16xi32>], vector<16xf32>,
          %broadcast_in_dim3A_218 = arith.constant 52 : i32
          %broadcast_in_dim3A_219 = vector.broadcast %broadcast_in_dim3A_218 : i32 to vector<16xi32>
          %gather3A_220 = tpu.vector_load_idx %arg5[%broadcast_in_dim3A_219, %get3A_58] : memref<96x1024xf32, #tpu.memory_space<vmem>>[vector<16xi32>, vector<16xi32>], vector<16xf32>,
          tpu.vector_store_idx %arg8[%add3A_62, %broadcast_in_dim3A_219], %gather3A_220 : memref<64x96xf32, #tpu.memory_space<vmem>>[vector<16xi32>, vector<16xi32>], vector<16xf32>,
          %broadcast_in_dim3A_221 = arith.constant 53 : i32
          %broadcast_in_dim3A_222 = vector.broadcast %broadcast_in_dim3A_221 : i32 to vector<16xi32>
          %gather3A_223 = tpu.vector_load_idx %arg5[%broadcast_in_dim3A_222, %get3A_58] : memref<96x1024xf32, #tpu.memory_space<vmem>>[vector<16xi32>, vector<16xi32>], vector<16xf32>,
          tpu.vector_store_idx %arg8[%add3A_62, %broadcast_in_dim3A_222], %gather3A_223 : memref<64x96xf32, #tpu.memory_space<vmem>>[vector<16xi32>, vector<16xi32>], vector<16xf32>,
          %broadcast_in_dim3A_224 = arith.constant 54 : i32
          %broadcast_in_dim3A_225 = vector.broadcast %broadcast_in_dim3A_224 : i32 to vector<16xi32>
          %gather3A_226 = tpu.vector_load_idx %arg5[%broadcast_in_dim3A_225, %get3A_58] : memref<96x1024xf32, #tpu.memory_space<vmem>>[vector<16xi32>, vector<16xi32>], vector<16xf32>,
          tpu.vector_store_idx %arg8[%add3A_62, %broadcast_in_dim3A_225], %gather3A_226 : memref<64x96xf32, #tpu.memory_space<vmem>>[vector<16xi32>, vector<16xi32>], vector<16xf32>,
          %broadcast_in_dim3A_227 = arith.constant 55 : i32
          %broadcast_in_dim3A_228 = vector.broadcast %broadcast_in_dim3A_227 : i32 to vector<16xi32>
          %gather3A_229 = tpu.vector_load_idx %arg5[%broadcast_in_dim3A_228, %get3A_58] : memref<96x1024xf32, #tpu.memory_space<vmem>>[vector<16xi32>, vector<16xi32>], vector<16xf32>,
          tpu.vector_store_idx %arg8[%add3A_62, %broadcast_in_dim3A_228], %gather3A_229 : memref<64x96xf32, #tpu.memory_space<vmem>>[vector<16xi32>, vector<16xi32>], vector<16xf32>,
          %broadcast_in_dim3A_230 = arith.constant 56 : i32
          %broadcast_in_dim3A_231 = vector.broadcast %broadcast_in_dim3A_230 : i32 to vector<16xi32>
          %gather3A_232 = tpu.vector_load_idx %arg5[%broadcast_in_dim3A_231, %get3A_58] : memref<96x1024xf32, #tpu.memory_space<vmem>>[vector<16xi32>, vector<16xi32>], vector<16xf32>,
          tpu.vector_store_idx %arg8[%add3A_62, %broadcast_in_dim3A_231], %gather3A_232 : memref<64x96xf32, #tpu.memory_space<vmem>>[vector<16xi32>, vector<16xi32>], vector<16xf32>,
          %broadcast_in_dim3A_233 = arith.constant 57 : i32
          %broadcast_in_dim3A_234 = vector.broadcast %broadcast_in_dim3A_233 : i32 to vector<16xi32>
          %gather3A_235 = tpu.vector_load_idx %arg5[%broadcast_in_dim3A_234, %get3A_58] : memref<96x1024xf32, #tpu.memory_space<vmem>>[vector<16xi32>, vector<16xi32>], vector<16xf32>,
          tpu.vector_store_idx %arg8[%add3A_62, %broadcast_in_dim3A_234], %gather3A_235 : memref<64x96xf32, #tpu.memory_space<vmem>>[vector<16xi32>, vector<16xi32>], vector<16xf32>,
          %broadcast_in_dim3A_236 = arith.constant 58 : i32
          %broadcast_in_dim3A_237 = vector.broadcast %broadcast_in_dim3A_236 : i32 to vector<16xi32>
          %gather3A_238 = tpu.vector_load_idx %arg5[%broadcast_in_dim3A_237, %get3A_58] : memref<96x1024xf32, #tpu.memory_space<vmem>>[vector<16xi32>, vector<16xi32>], vector<16xf32>,
          tpu.vector_store_idx %arg8[%add3A_62, %broadcast_in_dim3A_237], %gather3A_238 : memref<64x96xf32, #tpu.memory_space<vmem>>[vector<16xi32>, vector<16xi32>], vector<16xf32>,
          %broadcast_in_dim3A_239 = arith.constant 59 : i32
          %broadcast_in_dim3A_240 = vector.broadcast %broadcast_in_dim3A_239 : i32 to vector<16xi32>
          %gather3A_241 = tpu.vector_load_idx %arg5[%broadcast_in_dim3A_240, %get3A_58] : memref<96x1024xf32, #tpu.memory_space<vmem>>[vector<16xi32>, vector<16xi32>], vector<16xf32>,
          tpu.vector_store_idx %arg8[%add3A_62, %broadcast_in_dim3A_240], %gather3A_241 : memref<64x96xf32, #tpu.memory_space<vmem>>[vector<16xi32>, vector<16xi32>], vector<16xf32>,
          %broadcast_in_dim3A_242 = arith.constant 60 : i32
          %broadcast_in_dim3A_243 = vector.broadcast %broadcast_in_dim3A_242 : i32 to vector<16xi32>
          %gather3A_244 = tpu.vector_load_idx %arg5[%broadcast_in_dim3A_243, %get3A_58] : memref<96x1024xf32, #tpu.memory_space<vmem>>[vector<16xi32>, vector<16xi32>], vector<16xf32>,
          tpu.vector_store_idx %arg8[%add3A_62, %broadcast_in_dim3A_243], %gather3A_244 : memref<64x96xf32, #tpu.memory_space<vmem>>[vector<16xi32>, vector<16xi32>], vector<16xf32>,
          %broadcast_in_dim3A_245 = arith.constant 61 : i32
          %broadcast_in_dim3A_246 = vector.broadcast %broadcast_in_dim3A_245 : i32 to vector<16xi32>
          %gather3A_247 = tpu.vector_load_idx %arg5[%broadcast_in_dim3A_246, %get3A_58] : memref<96x1024xf32, #tpu.memory_space<vmem>>[vector<16xi32>, vector<16xi32>], vector<16xf32>,
          tpu.vector_store_idx %arg8[%add3A_62, %broadcast_in_dim3A_246], %gather3A_247 : memref<64x96xf32, #tpu.memory_space<vmem>>[vector<16xi32>, vector<16xi32>], vector<16xf32>,
          %broadcast_in_dim3A_248 = arith.constant 62 : i32
          %broadcast_in_dim3A_249 = vector.broadcast %broadcast_in_dim3A_248 : i32 to vector<16xi32>
          %gather3A_250 = tpu.vector_load_idx %arg5[%broadcast_in_dim3A_249, %get3A_58] : memref<96x1024xf32, #tpu.memory_space<vmem>>[vector<16xi32>, vector<16xi32>], vector<16xf32>,
          tpu.vector_store_idx %arg8[%add3A_62, %broadcast_in_dim3A_249], %gather3A_250 : memref<64x96xf32, #tpu.memory_space<vmem>>[vector<16xi32>, vector<16xi32>], vector<16xf32>,
          %broadcast_in_dim3A_251 = arith.constant 63 : i32
          %broadcast_in_dim3A_252 = vector.broadcast %broadcast_in_dim3A_251 : i32 to vector<16xi32>
          %gather3A_253 = tpu.vector_load_idx %arg5[%broadcast_in_dim3A_252, %get3A_58] : memref<96x1024xf32, #tpu.memory_space<vmem>>[vector<16xi32>, vector<16xi32>], vector<16xf32>,
          tpu.vector_store_idx %arg8[%add3A_62, %broadcast_in_dim3A_252], %gather3A_253 : memref<64x96xf32, #tpu.memory_space<vmem>>[vector<16xi32>, vector<16xi32>], vector<16xf32>,
          %broadcast_in_dim3A_254 = arith.constant 64 : i32
          %broadcast_in_dim3A_255 = vector.broadcast %broadcast_in_dim3A_254 : i32 to vector<16xi32>
          %gather3A_256 = tpu.vector_load_idx %arg5[%broadcast_in_dim3A_255, %get3A_58] : memref<96x1024xf32, #tpu.memory_space<vmem>>[vector<16xi32>, vector<16xi32>], vector<16xf32>,
          tpu.vector_store_idx %arg8[%add3A_62, %broadcast_in_dim3A_255], %gather3A_256 : memref<64x96xf32, #tpu.memory_space<vmem>>[vector<16xi32>, vector<16xi32>], vector<16xf32>,
          %broadcast_in_dim3A_257 = arith.constant 65 : i32
          %broadcast_in_dim3A_258 = vector.broadcast %broadcast_in_dim3A_257 : i32 to vector<16xi32>
          %gather3A_259 = tpu.vector_load_idx %arg5[%broadcast_in_dim3A_258, %get3A_58] : memref<96x1024xf32, #tpu.memory_space<vmem>>[vector<16xi32>, vector<16xi32>], vector<16xf32>,
          tpu.vector_store_idx %arg8[%add3A_62, %broadcast_in_dim3A_258], %gather3A_259 : memref<64x96xf32, #tpu.memory_space<vmem>>[vector<16xi32>, vector<16xi32>], vector<16xf32>,
          %broadcast_in_dim3A_260 = arith.constant 66 : i32
          %broadcast_in_dim3A_261 = vector.broadcast %broadcast_in_dim3A_260 : i32 to vector<16xi32>
          %gather3A_262 = tpu.vector_load_idx %arg5[%broadcast_in_dim3A_261, %get3A_58] : memref<96x1024xf32, #tpu.memory_space<vmem>>[vector<16xi32>, vector<16xi32>], vector<16xf32>,
          tpu.vector_store_idx %arg8[%add3A_62, %broadcast_in_dim3A_261], %gather3A_262 : memref<64x96xf32, #tpu.memory_space<vmem>>[vector<16xi32>, vector<16xi32>], vector<16xf32>,
          %broadcast_in_dim3A_263 = arith.constant 67 : i32
          %broadcast_in_dim3A_264 = vector.broadcast %broadcast_in_dim3A_263 : i32 to vector<16xi32>
          %gather3A_265 = tpu.vector_load_idx %arg5[%broadcast_in_dim3A_264, %get3A_58] : memref<96x1024xf32, #tpu.memory_space<vmem>>[vector<16xi32>, vector<16xi32>], vector<16xf32>,
          tpu.vector_store_idx %arg8[%add3A_62, %broadcast_in_dim3A_264], %gather3A_265 : memref<64x96xf32, #tpu.memory_space<vmem>>[vector<16xi32>, vector<16xi32>], vector<16xf32>,
          %broadcast_in_dim3A_266 = arith.constant 68 : i32
          %broadcast_in_dim3A_267 = vector.broadcast %broadcast_in_dim3A_266 : i32 to vector<16xi32>
          %gather3A_268 = tpu.vector_load_idx %arg5[%broadcast_in_dim3A_267, %get3A_58] : memref<96x1024xf32, #tpu.memory_space<vmem>>[vector<16xi32>, vector<16xi32>], vector<16xf32>,
          tpu.vector_store_idx %arg8[%add3A_62, %broadcast_in_dim3A_267], %gather3A_268 : memref<64x96xf32, #tpu.memory_space<vmem>>[vector<16xi32>, vector<16xi32>], vector<16xf32>,
          %broadcast_in_dim3A_269 = arith.constant 69 : i32
          %broadcast_in_dim3A_270 = vector.broadcast %broadcast_in_dim3A_269 : i32 to vector<16xi32>
          %gather3A_271 = tpu.vector_load_idx %arg5[%broadcast_in_dim3A_270, %get3A_58] : memref<96x1024xf32, #tpu.memory_space<vmem>>[vector<16xi32>, vector<16xi32>], vector<16xf32>,
          tpu.vector_store_idx %arg8[%add3A_62, %broadcast_in_dim3A_270], %gather3A_271 : memref<64x96xf32, #tpu.memory_space<vmem>>[vector<16xi32>, vector<16xi32>], vector<16xf32>,
          %broadcast_in_dim3A_272 = arith.constant 70 : i32
          %broadcast_in_dim3A_273 = vector.broadcast %broadcast_in_dim3A_272 : i32 to vector<16xi32>
          %gather3A_274 = tpu.vector_load_idx %arg5[%broadcast_in_dim3A_273, %get3A_58] : memref<96x1024xf32, #tpu.memory_space<vmem>>[vector<16xi32>, vector<16xi32>], vector<16xf32>,
          tpu.vector_store_idx %arg8[%add3A_62, %broadcast_in_dim3A_273], %gather3A_274 : memref<64x96xf32, #tpu.memory_space<vmem>>[vector<16xi32>, vector<16xi32>], vector<16xf32>,
          %broadcast_in_dim3A_275 = arith.constant 71 : i32
          %broadcast_in_dim3A_276 = vector.broadcast %broadcast_in_dim3A_275 : i32 to vector<16xi32>
          %gather3A_277 = tpu.vector_load_idx %arg5[%broadcast_in_dim3A_276, %get3A_58] : memref<96x1024xf32, #tpu.memory_space<vmem>>[vector<16xi32>, vector<16xi32>], vector<16xf32>,
          tpu.vector_store_idx %arg8[%add3A_62, %broadcast_in_dim3A_276], %gather3A_277 : memref<64x96xf32, #tpu.memory_space<vmem>>[vector<16xi32>, vector<16xi32>], vector<16xf32>,
          %broadcast_in_dim3A_278 = arith.constant 72 : i32
          %broadcast_in_dim3A_279 = vector.broadcast %broadcast_in_dim3A_278 : i32 to vector<16xi32>
          %gather3A_280 = tpu.vector_load_idx %arg5[%broadcast_in_dim3A_279, %get3A_58] : memref<96x1024xf32, #tpu.memory_space<vmem>>[vector<16xi32>, vector<16xi32>], vector<16xf32>,
          tpu.vector_store_idx %arg8[%add3A_62, %broadcast_in_dim3A_279], %gather3A_280 : memref<64x96xf32, #tpu.memory_space<vmem>>[vector<16xi32>, vector<16xi32>], vector<16xf32>,
          %broadcast_in_dim3A_281 = arith.constant 73 : i32
          %broadcast_in_dim3A_282 = vector.broadcast %broadcast_in_dim3A_281 : i32 to vector<16xi32>
          %gather3A_283 = tpu.vector_load_idx %arg5[%broadcast_in_dim3A_282, %get3A_58] : memref<96x1024xf32, #tpu.memory_space<vmem>>[vector<16xi32>, vector<16xi32>], vector<16xf32>,
          tpu.vector_store_idx %arg8[%add3A_62, %broadcast_in_dim3A_282], %gather3A_283 : memref<64x96xf32, #tpu.memory_space<vmem>>[vector<16xi32>, vector<16xi32>], vector<16xf32>,
          %broadcast_in_dim3A_284 = arith.constant 74 : i32
          %broadcast_in_dim3A_285 = vector.broadcast %broadcast_in_dim3A_284 : i32 to vector<16xi32>
          %gather3A_286 = tpu.vector_load_idx %arg5[%broadcast_in_dim3A_285, %get3A_58] : memref<96x1024xf32, #tpu.memory_space<vmem>>[vector<16xi32>, vector<16xi32>], vector<16xf32>,
          tpu.vector_store_idx %arg8[%add3A_62, %broadcast_in_dim3A_285], %gather3A_286 : memref<64x96xf32, #tpu.memory_space<vmem>>[vector<16xi32>, vector<16xi32>], vector<16xf32>,
          %broadcast_in_dim3A_287 = arith.constant 75 : i32
          %broadcast_in_dim3A_288 = vector.broadcast %broadcast_in_dim3A_287 : i32 to vector<16xi32>
          %gather3A_289 = tpu.vector_load_idx %arg5[%broadcast_in_dim3A_288, %get3A_58] : memref<96x1024xf32, #tpu.memory_space<vmem>>[vector<16xi32>, vector<16xi32>], vector<16xf32>,
          tpu.vector_store_idx %arg8[%add3A_62, %broadcast_in_dim3A_288], %gather3A_289 : memref<64x96xf32, #tpu.memory_space<vmem>>[vector<16xi32>, vector<16xi32>], vector<16xf32>,
          %broadcast_in_dim3A_290 = arith.constant 76 : i32
          %broadcast_in_dim3A_291 = vector.broadcast %broadcast_in_dim3A_290 : i32 to vector<16xi32>
          %gather3A_292 = tpu.vector_load_idx %arg5[%broadcast_in_dim3A_291, %get3A_58] : memref<96x1024xf32, #tpu.memory_space<vmem>>[vector<16xi32>, vector<16xi32>], vector<16xf32>,
          tpu.vector_store_idx %arg8[%add3A_62, %broadcast_in_dim3A_291], %gather3A_292 : memref<64x96xf32, #tpu.memory_space<vmem>>[vector<16xi32>, vector<16xi32>], vector<16xf32>,
          %broadcast_in_dim3A_293 = arith.constant 77 : i32
          %broadcast_in_dim3A_294 = vector.broadcast %broadcast_in_dim3A_293 : i32 to vector<16xi32>
          %gather3A_295 = tpu.vector_load_idx %arg5[%broadcast_in_dim3A_294, %get3A_58] : memref<96x1024xf32, #tpu.memory_space<vmem>>[vector<16xi32>, vector<16xi32>], vector<16xf32>,
          tpu.vector_store_idx %arg8[%add3A_62, %broadcast_in_dim3A_294], %gather3A_295 : memref<64x96xf32, #tpu.memory_space<vmem>>[vector<16xi32>, vector<16xi32>], vector<16xf32>,
          %broadcast_in_dim3A_296 = arith.constant 78 : i32
          %broadcast_in_dim3A_297 = vector.broadcast %broadcast_in_dim3A_296 : i32 to vector<16xi32>
          %gather3A_298 = tpu.vector_load_idx %arg5[%broadcast_in_dim3A_297, %get3A_58] : memref<96x1024xf32, #tpu.memory_space<vmem>>[vector<16xi32>, vector<16xi32>], vector<16xf32>,
          tpu.vector_store_idx %arg8[%add3A_62, %broadcast_in_dim3A_297], %gather3A_298 : memref<64x96xf32, #tpu.memory_space<vmem>>[vector<16xi32>, vector<16xi32>], vector<16xf32>,
          %broadcast_in_dim3A_299 = arith.constant 79 : i32
          %broadcast_in_dim3A_300 = vector.broadcast %broadcast_in_dim3A_299 : i32 to vector<16xi32>
          %gather3A_301 = tpu.vector_load_idx %arg5[%broadcast_in_dim3A_300, %get3A_58] : memref<96x1024xf32, #tpu.memory_space<vmem>>[vector<16xi32>, vector<16xi32>], vector<16xf32>,
          tpu.vector_store_idx %arg8[%add3A_62, %broadcast_in_dim3A_300], %gather3A_301 : memref<64x96xf32, #tpu.memory_space<vmem>>[vector<16xi32>, vector<16xi32>], vector<16xf32>,
          %broadcast_in_dim3A_302 = arith.constant 80 : i32
          %broadcast_in_dim3A_303 = vector.broadcast %broadcast_in_dim3A_302 : i32 to vector<16xi32>
          %gather3A_304 = tpu.vector_load_idx %arg5[%broadcast_in_dim3A_303, %get3A_58] : memref<96x1024xf32, #tpu.memory_space<vmem>>[vector<16xi32>, vector<16xi32>], vector<16xf32>,
          tpu.vector_store_idx %arg8[%add3A_62, %broadcast_in_dim3A_303], %gather3A_304 : memref<64x96xf32, #tpu.memory_space<vmem>>[vector<16xi32>, vector<16xi32>], vector<16xf32>,
          %broadcast_in_dim3A_305 = arith.constant 81 : i32
          %broadcast_in_dim3A_306 = vector.broadcast %broadcast_in_dim3A_305 : i32 to vector<16xi32>
          %gather3A_307 = tpu.vector_load_idx %arg5[%broadcast_in_dim3A_306, %get3A_58] : memref<96x1024xf32, #tpu.memory_space<vmem>>[vector<16xi32>, vector<16xi32>], vector<16xf32>,
          tpu.vector_store_idx %arg8[%add3A_62, %broadcast_in_dim3A_306], %gather3A_307 : memref<64x96xf32, #tpu.memory_space<vmem>>[vector<16xi32>, vector<16xi32>], vector<16xf32>,
          %broadcast_in_dim3A_308 = arith.constant 82 : i32
          %broadcast_in_dim3A_309 = vector.broadcast %broadcast_in_dim3A_308 : i32 to vector<16xi32>
          %gather3A_310 = tpu.vector_load_idx %arg5[%broadcast_in_dim3A_309, %get3A_58] : memref<96x1024xf32, #tpu.memory_space<vmem>>[vector<16xi32>, vector<16xi32>], vector<16xf32>,
          tpu.vector_store_idx %arg8[%add3A_62, %broadcast_in_dim3A_309], %gather3A_310 : memref<64x96xf32, #tpu.memory_space<vmem>>[vector<16xi32>, vector<16xi32>], vector<16xf32>,
          %broadcast_in_dim3A_311 = arith.constant 83 : i32
          %broadcast_in_dim3A_312 = vector.broadcast %broadcast_in_dim3A_311 : i32 to vector<16xi32>
          %gather3A_313 = tpu.vector_load_idx %arg5[%broadcast_in_dim3A_312, %get3A_58] : memref<96x1024xf32, #tpu.memory_space<vmem>>[vector<16xi32>, vector<16xi32>], vector<16xf32>,
          tpu.vector_store_idx %arg8[%add3A_62, %broadcast_in_dim3A_312], %gather3A_313 : memref<64x96xf32, #tpu.memory_space<vmem>>[vector<16xi32>, vector<16xi32>], vector<16xf32>,
          %broadcast_in_dim3A_314 = arith.constant 84 : i32
          %broadcast_in_dim3A_315 = vector.broadcast %broadcast_in_dim3A_314 : i32 to vector<16xi32>
          %gather3A_316 = tpu.vector_load_idx %arg5[%broadcast_in_dim3A_315, %get3A_58] : memref<96x1024xf32, #tpu.memory_space<vmem>>[vector<16xi32>, vector<16xi32>], vector<16xf32>,
          tpu.vector_store_idx %arg8[%add3A_62, %broadcast_in_dim3A_315], %gather3A_316 : memref<64x96xf32, #tpu.memory_space<vmem>>[vector<16xi32>, vector<16xi32>], vector<16xf32>,
          %broadcast_in_dim3A_317 = arith.constant 85 : i32
          %broadcast_in_dim3A_318 = vector.broadcast %broadcast_in_dim3A_317 : i32 to vector<16xi32>
          %gather3A_319 = tpu.vector_load_idx %arg5[%broadcast_in_dim3A_318, %get3A_58] : memref<96x1024xf32, #tpu.memory_space<vmem>>[vector<16xi32>, vector<16xi32>], vector<16xf32>,
          tpu.vector_store_idx %arg8[%add3A_62, %broadcast_in_dim3A_318], %gather3A_319 : memref<64x96xf32, #tpu.memory_space<vmem>>[vector<16xi32>, vector<16xi32>], vector<16xf32>,
          %broadcast_in_dim3A_320 = arith.constant 86 : i32
          %broadcast_in_dim3A_321 = vector.broadcast %broadcast_in_dim3A_320 : i32 to vector<16xi32>
          %gather3A_322 = tpu.vector_load_idx %arg5[%broadcast_in_dim3A_321, %get3A_58] : memref<96x1024xf32, #tpu.memory_space<vmem>>[vector<16xi32>, vector<16xi32>], vector<16xf32>,
          tpu.vector_store_idx %arg8[%add3A_62, %broadcast_in_dim3A_321], %gather3A_322 : memref<64x96xf32, #tpu.memory_space<vmem>>[vector<16xi32>, vector<16xi32>], vector<16xf32>,
          %broadcast_in_dim3A_323 = arith.constant 87 : i32
          %broadcast_in_dim3A_324 = vector.broadcast %broadcast_in_dim3A_323 : i32 to vector<16xi32>
          %gather3A_325 = tpu.vector_load_idx %arg5[%broadcast_in_dim3A_324, %get3A_58] : memref<96x1024xf32, #tpu.memory_space<vmem>>[vector<16xi32>, vector<16xi32>], vector<16xf32>,
          tpu.vector_store_idx %arg8[%add3A_62, %broadcast_in_dim3A_324], %gather3A_325 : memref<64x96xf32, #tpu.memory_space<vmem>>[vector<16xi32>, vector<16xi32>], vector<16xf32>,
          %broadcast_in_dim3A_326 = arith.constant 88 : i32
          %broadcast_in_dim3A_327 = vector.broadcast %broadcast_in_dim3A_326 : i32 to vector<16xi32>
          %gather3A_328 = tpu.vector_load_idx %arg5[%broadcast_in_dim3A_327, %get3A_58] : memref<96x1024xf32, #tpu.memory_space<vmem>>[vector<16xi32>, vector<16xi32>], vector<16xf32>,
          tpu.vector_store_idx %arg8[%add3A_62, %broadcast_in_dim3A_327], %gather3A_328 : memref<64x96xf32, #tpu.memory_space<vmem>>[vector<16xi32>, vector<16xi32>], vector<16xf32>,
          %broadcast_in_dim3A_329 = arith.constant 89 : i32
          %broadcast_in_dim3A_330 = vector.broadcast %broadcast_in_dim3A_329 : i32 to vector<16xi32>
          %gather3A_331 = tpu.vector_load_idx %arg5[%broadcast_in_dim3A_330, %get3A_58] : memref<96x1024xf32, #tpu.memory_space<vmem>>[vector<16xi32>, vector<16xi32>], vector<16xf32>,
          tpu.vector_store_idx %arg8[%add3A_62, %broadcast_in_dim3A_330], %gather3A_331 : memref<64x96xf32, #tpu.memory_space<vmem>>[vector<16xi32>, vector<16xi32>], vector<16xf32>,
          %broadcast_in_dim3A_332 = arith.constant 90 : i32
          %broadcast_in_dim3A_333 = vector.broadcast %broadcast_in_dim3A_332 : i32 to vector<16xi32>
          %gather3A_334 = tpu.vector_load_idx %arg5[%broadcast_in_dim3A_333, %get3A_58] : memref<96x1024xf32, #tpu.memory_space<vmem>>[vector<16xi32>, vector<16xi32>], vector<16xf32>,
          tpu.vector_store_idx %arg8[%add3A_62, %broadcast_in_dim3A_333], %gather3A_334 : memref<64x96xf32, #tpu.memory_space<vmem>>[vector<16xi32>, vector<16xi32>], vector<16xf32>,
          %broadcast_in_dim3A_335 = arith.constant 91 : i32
          %broadcast_in_dim3A_336 = vector.broadcast %broadcast_in_dim3A_335 : i32 to vector<16xi32>
          %gather3A_337 = tpu.vector_load_idx %arg5[%broadcast_in_dim3A_336, %get3A_58] : memref<96x1024xf32, #tpu.memory_space<vmem>>[vector<16xi32>, vector<16xi32>], vector<16xf32>,
          tpu.vector_store_idx %arg8[%add3A_62, %broadcast_in_dim3A_336], %gather3A_337 : memref<64x96xf32, #tpu.memory_space<vmem>>[vector<16xi32>, vector<16xi32>], vector<16xf32>,
          %broadcast_in_dim3A_338 = arith.constant 92 : i32
          %broadcast_in_dim3A_339 = vector.broadcast %broadcast_in_dim3A_338 : i32 to vector<16xi32>
          %gather3A_340 = tpu.vector_load_idx %arg5[%broadcast_in_dim3A_339, %get3A_58] : memref<96x1024xf32, #tpu.memory_space<vmem>>[vector<16xi32>, vector<16xi32>], vector<16xf32>,
          tpu.vector_store_idx %arg8[%add3A_62, %broadcast_in_dim3A_339], %gather3A_340 : memref<64x96xf32, #tpu.memory_space<vmem>>[vector<16xi32>, vector<16xi32>], vector<16xf32>,
          %broadcast_in_dim3A_341 = arith.constant 93 : i32
          %broadcast_in_dim3A_342 = vector.broadcast %broadcast_in_dim3A_341 : i32 to vector<16xi32>
          %gather3A_343 = tpu.vector_load_idx %arg5[%broadcast_in_dim3A_342, %get3A_58] : memref<96x1024xf32, #tpu.memory_space<vmem>>[vector<16xi32>, vector<16xi32>], vector<16xf32>,
          tpu.vector_store_idx %arg8[%add3A_62, %broadcast_in_dim3A_342], %gather3A_343 : memref<64x96xf32, #tpu.memory_space<vmem>>[vector<16xi32>, vector<16xi32>], vector<16xf32>,
          %broadcast_in_dim3A_344 = arith.constant 94 : i32
          %broadcast_in_dim3A_345 = vector.broadcast %broadcast_in_dim3A_344 : i32 to vector<16xi32>
          %gather3A_346 = tpu.vector_load_idx %arg5[%broadcast_in_dim3A_345, %get3A_58] : memref<96x1024xf32, #tpu.memory_space<vmem>>[vector<16xi32>, vector<16xi32>], vector<16xf32>,
          tpu.vector_store_idx %arg8[%add3A_62, %broadcast_in_dim3A_345], %gather3A_346 : memref<64x96xf32, #tpu.memory_space<vmem>>[vector<16xi32>, vector<16xi32>], vector<16xf32>,
          %broadcast_in_dim3A_347 = arith.constant 95 : i32
          %broadcast_in_dim3A_348 = vector.broadcast %broadcast_in_dim3A_347 : i32 to vector<16xi32>
          %gather3A_349 = tpu.vector_load_idx %arg5[%broadcast_in_dim3A_348, %get3A_58] : memref<96x1024xf32, #tpu.memory_space<vmem>>[vector<16xi32>, vector<16xi32>], vector<16xf32>,
          tpu.vector_store_idx %arg8[%add3A_62, %broadcast_in_dim3A_348], %gather3A_349 : memref<64x96xf32, #tpu.memory_space<vmem>>[vector<16xi32>, vector<16xi32>], vector<16xf32>,
        }
        %scan3A_37 = arith.constant 4 : i32
        %dma_start3A = arith.constant 0 : i32
        %dma_start3A_38 = arith.constant 0 : i32
        %dma_start3A_39 = tpu.memref_slice %arg4[%add3A_10, %scan3A_31, %dma_start3A, %dma_start3A_38] : memref<256x12x64x96xf32, #tpu.memory_space<hbm>> -> memref<1x1x64x96xf32, #tpu.memory_space<hbm>>
        %dma_start3A_40 = tpu.memref_squeeze %dma_start3A_39 : memref<1x1x64x96xf32, #tpu.memory_space<hbm>> -> memref<64x96xf32, #tpu.memory_space<hbm>>
        %dma_start3A_41 = arith.constant 0 : i32
        %dma_start3A_42 = arith.constant 0 : i32
        %dma_start3A_43 = tpu.memref_slice %arg4[%add3A_10, %scan3A_31, %dma_start3A_41, %dma_start3A_42] : memref<256x12x64x96xf32, #tpu.memory_space<hbm>> -> memref<1x1x64x96xf32, #tpu.memory_space<hbm>>
        %dma_start3A_44 = tpu.memref_squeeze %dma_start3A_43 : memref<1x1x64x96xf32, #tpu.memory_space<hbm>> -> memref<64x96xf32, #tpu.memory_space<hbm>>
        tpu.enqueue_dma source(%arg8 : memref<64x96xf32, #tpu.memory_space<vmem>>) target(%dma_start3A_44 : memref<64x96xf32, #tpu.memory_space<hbm>>) target_semaphore(%arg9 : memref<!tpu.dma_semaphore, #tpu.memory_space<semaphore_mem>>)
        %dma_wait3A = arith.constant 0 : i32
        %dma_wait3A_45 = arith.constant 0 : i32
        %dma_wait3A_46 = tpu.memref_slice %arg4[%add3A_10, %scan3A_31, %dma_wait3A, %dma_wait3A_45] : memref<256x12x64x96xf32, #tpu.memory_space<hbm>> -> memref<1x1x64x96xf32, #tpu.memory_space<hbm>>
        %dma_wait3A_47 = tpu.memref_squeeze %dma_wait3A_46 : memref<1x1x64x96xf32, #tpu.memory_space<hbm>> -> memref<64x96xf32, #tpu.memory_space<hbm>>
        %dma_wait3A_48 = arith.constant 0 : i32
        %dma_wait3A_49 = arith.constant 0 : i32
        %dma_wait3A_50 = tpu.memref_slice %arg4[%add3A_10, %scan3A_31, %dma_wait3A_48, %dma_wait3A_49] : memref<256x12x64x96xf32, #tpu.memory_space<hbm>> -> memref<1x1x64x96xf32, #tpu.memory_space<hbm>>
        %dma_wait3A_51 = tpu.memref_squeeze %dma_wait3A_50 : memref<1x1x64x96xf32, #tpu.memory_space<hbm>> -> memref<64x96xf32, #tpu.memory_space<hbm>>
        tpu.wait_dma2 semaphore(%arg9 : memref<!tpu.dma_semaphore, #tpu.memory_space<semaphore_mem>>) src(%arg8 : memref<64x96xf32, #tpu.memory_space<vmem>>) dst(%dma_wait3A_51 : memref<64x96xf32, #tpu.memory_space<hbm>>)
      }
      %scan3A_30 = arith.constant 12 : i32
    }
    %scan3A_6 = arith.constant 8 : i32
    return
  }
}

module attributes {stable_mosaic.version = 14 : i64} {
  func.func @_score_select_body(%arg0: i32, %arg1: memref<8x96x1024xf32, #tpu.memory_space<vmem>>, %arg2: memref<24x96xf32, #tpu.memory_space<vmem>>, %arg3: memref<24x1024xf32, #tpu.memory_space<vmem>>, %arg4: memref<1x24xf32, #tpu.memory_space<vmem>>, %arg5: memref<1x1xf32, #tpu.memory_space<vmem>>, %arg6: memref<8x1024xi32, #tpu.memory_space<vmem>>, %arg7: memref<1024x1024xf32, #tpu.memory_space<vmem>>, %arg8: memref<8x1024xf32, #tpu.memory_space<vmem>>) attributes {dimension_semantics = [#tpu.dimension_semantics<arbitrary>], iteration_bounds = array<i64: 32>, scalar_prefetch = 0 : i64, scratch_operands = 2 : i64, tpu.core_type = #tpu.core_type<tc>, window_params = [{transform_indices = @transform_0, window_bounds = array<i64: 8, 96, 1024>}, {pipeline_mode = #tpu.pipeline_mode<synchronous>, transform_indices = @transform_1, window_bounds = array<i64: 24, 96>}, {pipeline_mode = #tpu.pipeline_mode<synchronous>, transform_indices = @transform_2, window_bounds = array<i64: 24, 1024>}, {pipeline_mode = #tpu.pipeline_mode<synchronous>, transform_indices = @transform_3, window_bounds = array<i64: 1, 24>}, {pipeline_mode = #tpu.pipeline_mode<synchronous>, transform_indices = @transform_4, window_bounds = array<i64: 1, 1>}, {transform_indices = @transform_5, window_bounds = array<i64: 8, 1024>}]} {
    %eq3A = arith.constant 0 : i32
    %eq3A_0 = arith.cmpi eq, %arg0, %eq3A : i32
    %convert_element_type3A = arith.extui %eq3A_0 : i1 to i32
    %cond3A = arith.constant 0 : i32
    %cond3A_1 = arith.cmpi ne, %convert_element_type3A, %cond3A : i32
    scf.if %cond3A_1 {
      %iota3A = tpu.iota {dimensions = array<i32: 0>} : vector<1024x1024xi32>
      %iota3A_823 = tpu.iota {dimensions = array<i32: 1>} : vector<1024x1024xi32>
      %le3A = arith.cmpi sle, %iota3A, %iota3A_823 : vector<1024x1024xi32>
      %convert_element_type3A_824 = arith.extui %le3A : vector<1024x1024xi1> to vector<1024x1024xi32>
      %convert_element_type3A_825 = arith.sitofp %convert_element_type3A_824 : vector<1024x1024xi32> to vector<1024x1024xf32>
      %swap3A_826 = arith.constant 0 : index
      %swap3A_827 = arith.constant 0 : index
      %swap3A_828 = vector.load %arg7[%swap3A_826, %swap3A_827] : memref<1024x1024xf32, #tpu.memory_space<vmem>>, vector<1024x1024xf32>
      tpu.vector_store %arg7[%swap3A_826, %swap3A_827], %convert_element_type3A_825 {strides = array<i32>} : memref<1024x1024xf32, #tpu.memory_space<vmem>>, vector<1024x1024xf32>,
    } else {
    }
    %get3A = arith.constant 0 : index
    %get3A_2 = arith.constant 0 : index
    %get3A_3 = vector.load %arg2[%get3A, %get3A_2] : memref<24x96xf32, #tpu.memory_space<vmem>>, vector<24x96xf32>
    %get3A_4 = arith.constant 0 : index
    %get3A_5 = arith.constant 0 : index
    %get3A_6 = arith.constant 0 : index
    %get3A_7 = vector.load %arg1[%get3A_4, %get3A_5, %get3A_6] : memref<8x96x1024xf32, #tpu.memory_space<vmem>>, vector<1x96x1024xf32>
    %get3A_8 = vector.shape_cast %get3A_7 : vector<1x96x1024xf32> to vector<96x1024xf32>
    %dot_general3A = arith.constant dense<0.000000e+00> : vector<24x1024xf32>
    %dot_general3A_9 = tpu.matmul %get3A_3, %get3A_8, %dot_general3A {dimension_numbers = #tpu.dot_dimension_numbers<[1], [0], [0], [1], [0, 0, 1, 1], [], []>, transpose_lhs_hint = false} : vector<24x96xf32>, vector<96x1024xf32>, vector<24x1024xf32> -> vector<24x1024xf32>
    %get3A_10 = arith.constant 0 : index
    %get3A_11 = arith.constant 0 : index
    %get3A_12 = vector.load %arg3[%get3A_10, %get3A_11] : memref<24x1024xf32, #tpu.memory_space<vmem>>, vector<24x1024xf32>
    %add3A = arith.addf %dot_general3A_9, %get3A_12 : vector<24x1024xf32>
    %mul3A = arith.constant 5.000000e-01 : f32
    %mul3A_13 = vector.broadcast %mul3A : f32 to vector<24x1024xf32>
    %mul3A_14 = arith.mulf %mul3A_13, %add3A : vector<24x1024xf32>
    %mul3A_15 = arith.constant 0.707106769 : f32
    %mul3A_16 = vector.broadcast %mul3A_15 : f32 to vector<24x1024xf32>
    %mul3A_17 = arith.mulf %add3A, %mul3A_16 : vector<24x1024xf32>
    %erf3A = math.erf %mul3A_17 : vector<24x1024xf32>
    %add3A_18 = arith.constant 1.000000e+00 : f32
    %add3A_19 = vector.broadcast %add3A_18 : f32 to vector<24x1024xf32>
    %add3A_20 = arith.addf %add3A_19, %erf3A : vector<24x1024xf32>
    %mul3A_21 = arith.mulf %mul3A_14, %add3A_20 : vector<24x1024xf32>
    %get3A_22 = arith.constant 0 : index
    %get3A_23 = arith.constant 0 : index
    %get3A_24 = vector.load %arg4[%get3A_22, %get3A_23] : memref<1x24xf32, #tpu.memory_space<vmem>>, vector<1x24xf32>
    %dot_general3A_25 = arith.constant dense<0.000000e+00> : vector<1x1024xf32>
    %dot_general3A_26 = tpu.matmul %get3A_24, %mul3A_21, %dot_general3A_25 {dimension_numbers = #tpu.dot_dimension_numbers<[1], [0], [0], [1], [0, 0, 1, 1], [], []>, transpose_lhs_hint = false} : vector<1x24xf32>, vector<24x1024xf32>, vector<1x1024xf32> -> vector<1x1024xf32>
    %swap3A = arith.constant 0 : index
    %swap3A_27 = arith.constant 0 : index
    %swap3A_28 = vector.load %arg8[%swap3A, %swap3A_27] : memref<8x1024xf32, #tpu.memory_space<vmem>>, vector<1x1024xf32>
    tpu.vector_store %arg8[%swap3A, %swap3A_27], %dot_general3A_26 {strides = array<i32>} : memref<8x1024xf32, #tpu.memory_space<vmem>>, vector<1x1024xf32>,
    %get3A_29 = arith.constant 0 : index
    %get3A_30 = arith.constant 0 : index
    %get3A_31 = vector.load %arg2[%get3A_29, %get3A_30] : memref<24x96xf32, #tpu.memory_space<vmem>>, vector<24x96xf32>
    %get3A_32 = arith.constant 1 : index
    %get3A_33 = arith.constant 0 : index
    %get3A_34 = arith.constant 0 : index
    %get3A_35 = vector.load %arg1[%get3A_32, %get3A_33, %get3A_34] : memref<8x96x1024xf32, #tpu.memory_space<vmem>>, vector<1x96x1024xf32>
    %get3A_36 = vector.shape_cast %get3A_35 : vector<1x96x1024xf32> to vector<96x1024xf32>
    %dot_general3A_37 = arith.constant dense<0.000000e+00> : vector<24x1024xf32>
    %dot_general3A_38 = tpu.matmul %get3A_31, %get3A_36, %dot_general3A_37 {dimension_numbers = #tpu.dot_dimension_numbers<[1], [0], [0], [1], [0, 0, 1, 1], [], []>, transpose_lhs_hint = false} : vector<24x96xf32>, vector<96x1024xf32>, vector<24x1024xf32> -> vector<24x1024xf32>
    %get3A_39 = arith.constant 0 : index
    %get3A_40 = arith.constant 0 : index
    %get3A_41 = vector.load %arg3[%get3A_39, %get3A_40] : memref<24x1024xf32, #tpu.memory_space<vmem>>, vector<24x1024xf32>
    %add3A_42 = arith.addf %dot_general3A_38, %get3A_41 : vector<24x1024xf32>
    %mul3A_43 = arith.constant 5.000000e-01 : f32
    %mul3A_44 = vector.broadcast %mul3A_43 : f32 to vector<24x1024xf32>
    %mul3A_45 = arith.mulf %mul3A_44, %add3A_42 : vector<24x1024xf32>
    %mul3A_46 = arith.constant 0.707106769 : f32
    %mul3A_47 = vector.broadcast %mul3A_46 : f32 to vector<24x1024xf32>
    %mul3A_48 = arith.mulf %add3A_42, %mul3A_47 : vector<24x1024xf32>
    %erf3A_49 = math.erf %mul3A_48 : vector<24x1024xf32>
    %add3A_50 = arith.constant 1.000000e+00 : f32
    %add3A_51 = vector.broadcast %add3A_50 : f32 to vector<24x1024xf32>
    %add3A_52 = arith.addf %add3A_51, %erf3A_49 : vector<24x1024xf32>
    %mul3A_53 = arith.mulf %mul3A_45, %add3A_52 : vector<24x1024xf32>
    %get3A_54 = arith.constant 0 : index
    %get3A_55 = arith.constant 0 : index
    %get3A_56 = vector.load %arg4[%get3A_54, %get3A_55] : memref<1x24xf32, #tpu.memory_space<vmem>>, vector<1x24xf32>
    %dot_general3A_57 = arith.constant dense<0.000000e+00> : vector<1x1024xf32>
    %dot_general3A_58 = tpu.matmul %get3A_56, %mul3A_53, %dot_general3A_57 {dimension_numbers = #tpu.dot_dimension_numbers<[1], [0], [0], [1], [0, 0, 1, 1], [], []>, transpose_lhs_hint = false} : vector<1x24xf32>, vector<24x1024xf32>, vector<1x1024xf32> -> vector<1x1024xf32>
    %swap3A_59 = arith.constant 1 : index
    %swap3A_60 = arith.constant 0 : index
    %swap3A_61 = vector.load %arg8[%swap3A_59, %swap3A_60] : memref<8x1024xf32, #tpu.memory_space<vmem>>, vector<1x1024xf32>
    tpu.vector_store %arg8[%swap3A_59, %swap3A_60], %dot_general3A_58 {strides = array<i32>} : memref<8x1024xf32, #tpu.memory_space<vmem>>, vector<1x1024xf32>,
    %get3A_62 = arith.constant 0 : index
    %get3A_63 = arith.constant 0 : index
    %get3A_64 = vector.load %arg2[%get3A_62, %get3A_63] : memref<24x96xf32, #tpu.memory_space<vmem>>, vector<24x96xf32>
    %get3A_65 = arith.constant 2 : index
    %get3A_66 = arith.constant 0 : index
    %get3A_67 = arith.constant 0 : index
    %get3A_68 = vector.load %arg1[%get3A_65, %get3A_66, %get3A_67] : memref<8x96x1024xf32, #tpu.memory_space<vmem>>, vector<1x96x1024xf32>
    %get3A_69 = vector.shape_cast %get3A_68 : vector<1x96x1024xf32> to vector<96x1024xf32>
    %dot_general3A_70 = arith.constant dense<0.000000e+00> : vector<24x1024xf32>
    %dot_general3A_71 = tpu.matmul %get3A_64, %get3A_69, %dot_general3A_70 {dimension_numbers = #tpu.dot_dimension_numbers<[1], [0], [0], [1], [0, 0, 1, 1], [], []>, transpose_lhs_hint = false} : vector<24x96xf32>, vector<96x1024xf32>, vector<24x1024xf32> -> vector<24x1024xf32>
    %get3A_72 = arith.constant 0 : index
    %get3A_73 = arith.constant 0 : index
    %get3A_74 = vector.load %arg3[%get3A_72, %get3A_73] : memref<24x1024xf32, #tpu.memory_space<vmem>>, vector<24x1024xf32>
    %add3A_75 = arith.addf %dot_general3A_71, %get3A_74 : vector<24x1024xf32>
    %mul3A_76 = arith.constant 5.000000e-01 : f32
    %mul3A_77 = vector.broadcast %mul3A_76 : f32 to vector<24x1024xf32>
    %mul3A_78 = arith.mulf %mul3A_77, %add3A_75 : vector<24x1024xf32>
    %mul3A_79 = arith.constant 0.707106769 : f32
    %mul3A_80 = vector.broadcast %mul3A_79 : f32 to vector<24x1024xf32>
    %mul3A_81 = arith.mulf %add3A_75, %mul3A_80 : vector<24x1024xf32>
    %erf3A_82 = math.erf %mul3A_81 : vector<24x1024xf32>
    %add3A_83 = arith.constant 1.000000e+00 : f32
    %add3A_84 = vector.broadcast %add3A_83 : f32 to vector<24x1024xf32>
    %add3A_85 = arith.addf %add3A_84, %erf3A_82 : vector<24x1024xf32>
    %mul3A_86 = arith.mulf %mul3A_78, %add3A_85 : vector<24x1024xf32>
    %get3A_87 = arith.constant 0 : index
    %get3A_88 = arith.constant 0 : index
    %get3A_89 = vector.load %arg4[%get3A_87, %get3A_88] : memref<1x24xf32, #tpu.memory_space<vmem>>, vector<1x24xf32>
    %dot_general3A_90 = arith.constant dense<0.000000e+00> : vector<1x1024xf32>
    %dot_general3A_91 = tpu.matmul %get3A_89, %mul3A_86, %dot_general3A_90 {dimension_numbers = #tpu.dot_dimension_numbers<[1], [0], [0], [1], [0, 0, 1, 1], [], []>, transpose_lhs_hint = false} : vector<1x24xf32>, vector<24x1024xf32>, vector<1x1024xf32> -> vector<1x1024xf32>
    %swap3A_92 = arith.constant 2 : index
    %swap3A_93 = arith.constant 0 : index
    %swap3A_94 = vector.load %arg8[%swap3A_92, %swap3A_93] : memref<8x1024xf32, #tpu.memory_space<vmem>>, vector<1x1024xf32>
    tpu.vector_store %arg8[%swap3A_92, %swap3A_93], %dot_general3A_91 {strides = array<i32>} : memref<8x1024xf32, #tpu.memory_space<vmem>>, vector<1x1024xf32>,
    %get3A_95 = arith.constant 0 : index
    %get3A_96 = arith.constant 0 : index
    %get3A_97 = vector.load %arg2[%get3A_95, %get3A_96] : memref<24x96xf32, #tpu.memory_space<vmem>>, vector<24x96xf32>
    %get3A_98 = arith.constant 3 : index
    %get3A_99 = arith.constant 0 : index
    %get3A_100 = arith.constant 0 : index
    %get3A_101 = vector.load %arg1[%get3A_98, %get3A_99, %get3A_100] : memref<8x96x1024xf32, #tpu.memory_space<vmem>>, vector<1x96x1024xf32>
    %get3A_102 = vector.shape_cast %get3A_101 : vector<1x96x1024xf32> to vector<96x1024xf32>
    %dot_general3A_103 = arith.constant dense<0.000000e+00> : vector<24x1024xf32>
    %dot_general3A_104 = tpu.matmul %get3A_97, %get3A_102, %dot_general3A_103 {dimension_numbers = #tpu.dot_dimension_numbers<[1], [0], [0], [1], [0, 0, 1, 1], [], []>, transpose_lhs_hint = false} : vector<24x96xf32>, vector<96x1024xf32>, vector<24x1024xf32> -> vector<24x1024xf32>
    %get3A_105 = arith.constant 0 : index
    %get3A_106 = arith.constant 0 : index
    %get3A_107 = vector.load %arg3[%get3A_105, %get3A_106] : memref<24x1024xf32, #tpu.memory_space<vmem>>, vector<24x1024xf32>
    %add3A_108 = arith.addf %dot_general3A_104, %get3A_107 : vector<24x1024xf32>
    %mul3A_109 = arith.constant 5.000000e-01 : f32
    %mul3A_110 = vector.broadcast %mul3A_109 : f32 to vector<24x1024xf32>
    %mul3A_111 = arith.mulf %mul3A_110, %add3A_108 : vector<24x1024xf32>
    %mul3A_112 = arith.constant 0.707106769 : f32
    %mul3A_113 = vector.broadcast %mul3A_112 : f32 to vector<24x1024xf32>
    %mul3A_114 = arith.mulf %add3A_108, %mul3A_113 : vector<24x1024xf32>
    %erf3A_115 = math.erf %mul3A_114 : vector<24x1024xf32>
    %add3A_116 = arith.constant 1.000000e+00 : f32
    %add3A_117 = vector.broadcast %add3A_116 : f32 to vector<24x1024xf32>
    %add3A_118 = arith.addf %add3A_117, %erf3A_115 : vector<24x1024xf32>
    %mul3A_119 = arith.mulf %mul3A_111, %add3A_118 : vector<24x1024xf32>
    %get3A_120 = arith.constant 0 : index
    %get3A_121 = arith.constant 0 : index
    %get3A_122 = vector.load %arg4[%get3A_120, %get3A_121] : memref<1x24xf32, #tpu.memory_space<vmem>>, vector<1x24xf32>
    %dot_general3A_123 = arith.constant dense<0.000000e+00> : vector<1x1024xf32>
    %dot_general3A_124 = tpu.matmul %get3A_122, %mul3A_119, %dot_general3A_123 {dimension_numbers = #tpu.dot_dimension_numbers<[1], [0], [0], [1], [0, 0, 1, 1], [], []>, transpose_lhs_hint = false} : vector<1x24xf32>, vector<24x1024xf32>, vector<1x1024xf32> -> vector<1x1024xf32>
    %swap3A_125 = arith.constant 3 : index
    %swap3A_126 = arith.constant 0 : index
    %swap3A_127 = vector.load %arg8[%swap3A_125, %swap3A_126] : memref<8x1024xf32, #tpu.memory_space<vmem>>, vector<1x1024xf32>
    tpu.vector_store %arg8[%swap3A_125, %swap3A_126], %dot_general3A_124 {strides = array<i32>} : memref<8x1024xf32, #tpu.memory_space<vmem>>, vector<1x1024xf32>,
    %get3A_128 = arith.constant 0 : index
    %get3A_129 = arith.constant 0 : index
    %get3A_130 = vector.load %arg2[%get3A_128, %get3A_129] : memref<24x96xf32, #tpu.memory_space<vmem>>, vector<24x96xf32>
    %get3A_131 = arith.constant 4 : index
    %get3A_132 = arith.constant 0 : index
    %get3A_133 = arith.constant 0 : index
    %get3A_134 = vector.load %arg1[%get3A_131, %get3A_132, %get3A_133] : memref<8x96x1024xf32, #tpu.memory_space<vmem>>, vector<1x96x1024xf32>
    %get3A_135 = vector.shape_cast %get3A_134 : vector<1x96x1024xf32> to vector<96x1024xf32>
    %dot_general3A_136 = arith.constant dense<0.000000e+00> : vector<24x1024xf32>
    %dot_general3A_137 = tpu.matmul %get3A_130, %get3A_135, %dot_general3A_136 {dimension_numbers = #tpu.dot_dimension_numbers<[1], [0], [0], [1], [0, 0, 1, 1], [], []>, transpose_lhs_hint = false} : vector<24x96xf32>, vector<96x1024xf32>, vector<24x1024xf32> -> vector<24x1024xf32>
    %get3A_138 = arith.constant 0 : index
    %get3A_139 = arith.constant 0 : index
    %get3A_140 = vector.load %arg3[%get3A_138, %get3A_139] : memref<24x1024xf32, #tpu.memory_space<vmem>>, vector<24x1024xf32>
    %add3A_141 = arith.addf %dot_general3A_137, %get3A_140 : vector<24x1024xf32>
    %mul3A_142 = arith.constant 5.000000e-01 : f32
    %mul3A_143 = vector.broadcast %mul3A_142 : f32 to vector<24x1024xf32>
    %mul3A_144 = arith.mulf %mul3A_143, %add3A_141 : vector<24x1024xf32>
    %mul3A_145 = arith.constant 0.707106769 : f32
    %mul3A_146 = vector.broadcast %mul3A_145 : f32 to vector<24x1024xf32>
    %mul3A_147 = arith.mulf %add3A_141, %mul3A_146 : vector<24x1024xf32>
    %erf3A_148 = math.erf %mul3A_147 : vector<24x1024xf32>
    %add3A_149 = arith.constant 1.000000e+00 : f32
    %add3A_150 = vector.broadcast %add3A_149 : f32 to vector<24x1024xf32>
    %add3A_151 = arith.addf %add3A_150, %erf3A_148 : vector<24x1024xf32>
    %mul3A_152 = arith.mulf %mul3A_144, %add3A_151 : vector<24x1024xf32>
    %get3A_153 = arith.constant 0 : index
    %get3A_154 = arith.constant 0 : index
    %get3A_155 = vector.load %arg4[%get3A_153, %get3A_154] : memref<1x24xf32, #tpu.memory_space<vmem>>, vector<1x24xf32>
    %dot_general3A_156 = arith.constant dense<0.000000e+00> : vector<1x1024xf32>
    %dot_general3A_157 = tpu.matmul %get3A_155, %mul3A_152, %dot_general3A_156 {dimension_numbers = #tpu.dot_dimension_numbers<[1], [0], [0], [1], [0, 0, 1, 1], [], []>, transpose_lhs_hint = false} : vector<1x24xf32>, vector<24x1024xf32>, vector<1x1024xf32> -> vector<1x1024xf32>
    %swap3A_158 = arith.constant 4 : index
    %swap3A_159 = arith.constant 0 : index
    %swap3A_160 = vector.load %arg8[%swap3A_158, %swap3A_159] : memref<8x1024xf32, #tpu.memory_space<vmem>>, vector<1x1024xf32>
    tpu.vector_store %arg8[%swap3A_158, %swap3A_159], %dot_general3A_157 {strides = array<i32>} : memref<8x1024xf32, #tpu.memory_space<vmem>>, vector<1x1024xf32>,
    %get3A_161 = arith.constant 0 : index
    %get3A_162 = arith.constant 0 : index
    %get3A_163 = vector.load %arg2[%get3A_161, %get3A_162] : memref<24x96xf32, #tpu.memory_space<vmem>>, vector<24x96xf32>
    %get3A_164 = arith.constant 5 : index
    %get3A_165 = arith.constant 0 : index
    %get3A_166 = arith.constant 0 : index
    %get3A_167 = vector.load %arg1[%get3A_164, %get3A_165, %get3A_166] : memref<8x96x1024xf32, #tpu.memory_space<vmem>>, vector<1x96x1024xf32>
    %get3A_168 = vector.shape_cast %get3A_167 : vector<1x96x1024xf32> to vector<96x1024xf32>
    %dot_general3A_169 = arith.constant dense<0.000000e+00> : vector<24x1024xf32>
    %dot_general3A_170 = tpu.matmul %get3A_163, %get3A_168, %dot_general3A_169 {dimension_numbers = #tpu.dot_dimension_numbers<[1], [0], [0], [1], [0, 0, 1, 1], [], []>, transpose_lhs_hint = false} : vector<24x96xf32>, vector<96x1024xf32>, vector<24x1024xf32> -> vector<24x1024xf32>
    %get3A_171 = arith.constant 0 : index
    %get3A_172 = arith.constant 0 : index
    %get3A_173 = vector.load %arg3[%get3A_171, %get3A_172] : memref<24x1024xf32, #tpu.memory_space<vmem>>, vector<24x1024xf32>
    %add3A_174 = arith.addf %dot_general3A_170, %get3A_173 : vector<24x1024xf32>
    %mul3A_175 = arith.constant 5.000000e-01 : f32
    %mul3A_176 = vector.broadcast %mul3A_175 : f32 to vector<24x1024xf32>
    %mul3A_177 = arith.mulf %mul3A_176, %add3A_174 : vector<24x1024xf32>
    %mul3A_178 = arith.constant 0.707106769 : f32
    %mul3A_179 = vector.broadcast %mul3A_178 : f32 to vector<24x1024xf32>
    %mul3A_180 = arith.mulf %add3A_174, %mul3A_179 : vector<24x1024xf32>
    %erf3A_181 = math.erf %mul3A_180 : vector<24x1024xf32>
    %add3A_182 = arith.constant 1.000000e+00 : f32
    %add3A_183 = vector.broadcast %add3A_182 : f32 to vector<24x1024xf32>
    %add3A_184 = arith.addf %add3A_183, %erf3A_181 : vector<24x1024xf32>
    %mul3A_185 = arith.mulf %mul3A_177, %add3A_184 : vector<24x1024xf32>
    %get3A_186 = arith.constant 0 : index
    %get3A_187 = arith.constant 0 : index
    %get3A_188 = vector.load %arg4[%get3A_186, %get3A_187] : memref<1x24xf32, #tpu.memory_space<vmem>>, vector<1x24xf32>
    %dot_general3A_189 = arith.constant dense<0.000000e+00> : vector<1x1024xf32>
    %dot_general3A_190 = tpu.matmul %get3A_188, %mul3A_185, %dot_general3A_189 {dimension_numbers = #tpu.dot_dimension_numbers<[1], [0], [0], [1], [0, 0, 1, 1], [], []>, transpose_lhs_hint = false} : vector<1x24xf32>, vector<24x1024xf32>, vector<1x1024xf32> -> vector<1x1024xf32>
    %swap3A_191 = arith.constant 5 : index
    %swap3A_192 = arith.constant 0 : index
    %swap3A_193 = vector.load %arg8[%swap3A_191, %swap3A_192] : memref<8x1024xf32, #tpu.memory_space<vmem>>, vector<1x1024xf32>
    tpu.vector_store %arg8[%swap3A_191, %swap3A_192], %dot_general3A_190 {strides = array<i32>} : memref<8x1024xf32, #tpu.memory_space<vmem>>, vector<1x1024xf32>,
    %get3A_194 = arith.constant 0 : index
    %get3A_195 = arith.constant 0 : index
    %get3A_196 = vector.load %arg2[%get3A_194, %get3A_195] : memref<24x96xf32, #tpu.memory_space<vmem>>, vector<24x96xf32>
    %get3A_197 = arith.constant 6 : index
    %get3A_198 = arith.constant 0 : index
    %get3A_199 = arith.constant 0 : index
    %get3A_200 = vector.load %arg1[%get3A_197, %get3A_198, %get3A_199] : memref<8x96x1024xf32, #tpu.memory_space<vmem>>, vector<1x96x1024xf32>
    %get3A_201 = vector.shape_cast %get3A_200 : vector<1x96x1024xf32> to vector<96x1024xf32>
    %dot_general3A_202 = arith.constant dense<0.000000e+00> : vector<24x1024xf32>
    %dot_general3A_203 = tpu.matmul %get3A_196, %get3A_201, %dot_general3A_202 {dimension_numbers = #tpu.dot_dimension_numbers<[1], [0], [0], [1], [0, 0, 1, 1], [], []>, transpose_lhs_hint = false} : vector<24x96xf32>, vector<96x1024xf32>, vector<24x1024xf32> -> vector<24x1024xf32>
    %get3A_204 = arith.constant 0 : index
    %get3A_205 = arith.constant 0 : index
    %get3A_206 = vector.load %arg3[%get3A_204, %get3A_205] : memref<24x1024xf32, #tpu.memory_space<vmem>>, vector<24x1024xf32>
    %add3A_207 = arith.addf %dot_general3A_203, %get3A_206 : vector<24x1024xf32>
    %mul3A_208 = arith.constant 5.000000e-01 : f32
    %mul3A_209 = vector.broadcast %mul3A_208 : f32 to vector<24x1024xf32>
    %mul3A_210 = arith.mulf %mul3A_209, %add3A_207 : vector<24x1024xf32>
    %mul3A_211 = arith.constant 0.707106769 : f32
    %mul3A_212 = vector.broadcast %mul3A_211 : f32 to vector<24x1024xf32>
    %mul3A_213 = arith.mulf %add3A_207, %mul3A_212 : vector<24x1024xf32>
    %erf3A_214 = math.erf %mul3A_213 : vector<24x1024xf32>
    %add3A_215 = arith.constant 1.000000e+00 : f32
    %add3A_216 = vector.broadcast %add3A_215 : f32 to vector<24x1024xf32>
    %add3A_217 = arith.addf %add3A_216, %erf3A_214 : vector<24x1024xf32>
    %mul3A_218 = arith.mulf %mul3A_210, %add3A_217 : vector<24x1024xf32>
    %get3A_219 = arith.constant 0 : index
    %get3A_220 = arith.constant 0 : index
    %get3A_221 = vector.load %arg4[%get3A_219, %get3A_220] : memref<1x24xf32, #tpu.memory_space<vmem>>, vector<1x24xf32>
    %dot_general3A_222 = arith.constant dense<0.000000e+00> : vector<1x1024xf32>
    %dot_general3A_223 = tpu.matmul %get3A_221, %mul3A_218, %dot_general3A_222 {dimension_numbers = #tpu.dot_dimension_numbers<[1], [0], [0], [1], [0, 0, 1, 1], [], []>, transpose_lhs_hint = false} : vector<1x24xf32>, vector<24x1024xf32>, vector<1x1024xf32> -> vector<1x1024xf32>
    %swap3A_224 = arith.constant 6 : index
    %swap3A_225 = arith.constant 0 : index
    %swap3A_226 = vector.load %arg8[%swap3A_224, %swap3A_225] : memref<8x1024xf32, #tpu.memory_space<vmem>>, vector<1x1024xf32>
    tpu.vector_store %arg8[%swap3A_224, %swap3A_225], %dot_general3A_223 {strides = array<i32>} : memref<8x1024xf32, #tpu.memory_space<vmem>>, vector<1x1024xf32>,
    %get3A_227 = arith.constant 0 : index
    %get3A_228 = arith.constant 0 : index
    %get3A_229 = vector.load %arg2[%get3A_227, %get3A_228] : memref<24x96xf32, #tpu.memory_space<vmem>>, vector<24x96xf32>
    %get3A_230 = arith.constant 7 : index
    %get3A_231 = arith.constant 0 : index
    %get3A_232 = arith.constant 0 : index
    %get3A_233 = vector.load %arg1[%get3A_230, %get3A_231, %get3A_232] : memref<8x96x1024xf32, #tpu.memory_space<vmem>>, vector<1x96x1024xf32>
    %get3A_234 = vector.shape_cast %get3A_233 : vector<1x96x1024xf32> to vector<96x1024xf32>
    %dot_general3A_235 = arith.constant dense<0.000000e+00> : vector<24x1024xf32>
    %dot_general3A_236 = tpu.matmul %get3A_229, %get3A_234, %dot_general3A_235 {dimension_numbers = #tpu.dot_dimension_numbers<[1], [0], [0], [1], [0, 0, 1, 1], [], []>, transpose_lhs_hint = false} : vector<24x96xf32>, vector<96x1024xf32>, vector<24x1024xf32> -> vector<24x1024xf32>
    %get3A_237 = arith.constant 0 : index
    %get3A_238 = arith.constant 0 : index
    %get3A_239 = vector.load %arg3[%get3A_237, %get3A_238] : memref<24x1024xf32, #tpu.memory_space<vmem>>, vector<24x1024xf32>
    %add3A_240 = arith.addf %dot_general3A_236, %get3A_239 : vector<24x1024xf32>
    %mul3A_241 = arith.constant 5.000000e-01 : f32
    %mul3A_242 = vector.broadcast %mul3A_241 : f32 to vector<24x1024xf32>
    %mul3A_243 = arith.mulf %mul3A_242, %add3A_240 : vector<24x1024xf32>
    %mul3A_244 = arith.constant 0.707106769 : f32
    %mul3A_245 = vector.broadcast %mul3A_244 : f32 to vector<24x1024xf32>
    %mul3A_246 = arith.mulf %add3A_240, %mul3A_245 : vector<24x1024xf32>
    %erf3A_247 = math.erf %mul3A_246 : vector<24x1024xf32>
    %add3A_248 = arith.constant 1.000000e+00 : f32
    %add3A_249 = vector.broadcast %add3A_248 : f32 to vector<24x1024xf32>
    %add3A_250 = arith.addf %add3A_249, %erf3A_247 : vector<24x1024xf32>
    %mul3A_251 = arith.mulf %mul3A_243, %add3A_250 : vector<24x1024xf32>
    %get3A_252 = arith.constant 0 : index
    %get3A_253 = arith.constant 0 : index
    %get3A_254 = vector.load %arg4[%get3A_252, %get3A_253] : memref<1x24xf32, #tpu.memory_space<vmem>>, vector<1x24xf32>
    %dot_general3A_255 = arith.constant dense<0.000000e+00> : vector<1x1024xf32>
    %dot_general3A_256 = tpu.matmul %get3A_254, %mul3A_251, %dot_general3A_255 {dimension_numbers = #tpu.dot_dimension_numbers<[1], [0], [0], [1], [0, 0, 1, 1], [], []>, transpose_lhs_hint = false} : vector<1x24xf32>, vector<24x1024xf32>, vector<1x1024xf32> -> vector<1x1024xf32>
    %swap3A_257 = arith.constant 7 : index
    %swap3A_258 = arith.constant 0 : index
    %swap3A_259 = vector.load %arg8[%swap3A_257, %swap3A_258] : memref<8x1024xf32, #tpu.memory_space<vmem>>, vector<1x1024xf32>
    tpu.vector_store %arg8[%swap3A_257, %swap3A_258], %dot_general3A_256 {strides = array<i32>} : memref<8x1024xf32, #tpu.memory_space<vmem>>, vector<1x1024xf32>,
    %get3A_260 = arith.constant 0 : index
    %get3A_261 = arith.constant 0 : index
    %get3A_262 = vector.load %arg8[%get3A_260, %get3A_261] : memref<8x1024xf32, #tpu.memory_space<vmem>>, vector<8x1024xf32>
    %get3A_263 = arith.constant 0 : index
    %get3A_264 = arith.constant 0 : index
    %get3A_265 = vector.load %arg5[%get3A_263, %get3A_264] : memref<1x1xf32, #tpu.memory_space<vmem>>, vector<1x1xf32>
    %get3A_266 = vector.extract %get3A_265[0, 0] : f32 from vector<1x1xf32>
    %add3A_267 = vector.broadcast %get3A_266 : f32 to vector<8x1024xf32>
    %add3A_268 = arith.addf %get3A_262, %add3A_267 : vector<8x1024xf32>
    %bitcast_convert_type3A = tpu.bitcast %add3A_268 : vector<8x1024xf32> -> vector<8x1024xi32>
    %ge3A = arith.constant 0 : i32
    %ge3A_269 = vector.broadcast %ge3A : i32 to vector<8x1024xi32>
    %ge3A_270 = arith.cmpi sge, %bitcast_convert_type3A, %ge3A_269 : vector<8x1024xi32>
    %xor3A = arith.constant 2147483647 : i32
    %xor3A_271 = vector.broadcast %xor3A : i32 to vector<8x1024xi32>
    %xor3A_272 = arith.xori %bitcast_convert_type3A, %xor3A_271 : vector<8x1024xi32>
    %select_n3A = arith.select %ge3A_270, %bitcast_convert_type3A, %xor3A_272 : vector<8x1024xi1>, vector<8x1024xi32>
    %broadcast_in_dim3A = arith.constant 0 : i32
    %broadcast_in_dim3A_273 = vector.broadcast %broadcast_in_dim3A : i32 to vector<8x1xi32>
    %or3A = arith.constant -2147483648 : i32
    %or3A_274 = vector.broadcast %or3A : i32 to vector<8x1xi32>
    %or3A_275 = arith.ori %broadcast_in_dim3A_273, %or3A_274 : vector<8x1xi32>
    %xor3A_276 = arith.constant -2147483648 : i32
    %xor3A_277 = vector.broadcast %xor3A_276 : i32 to vector<8x1xi32>
    %xor3A_278 = arith.xori %or3A_275, %xor3A_277 : vector<8x1xi32>
    %ge3A_279 = vector.broadcast %xor3A_278 : vector<8x1xi32> to vector<8x1024xi32>
    %ge3A_280 = arith.cmpi sge, %select_n3A, %ge3A_279 : vector<8x1024xi32>
    %convert_element_type3A_281 = arith.extui %ge3A_280 : vector<8x1024xi1> to vector<8x1024xi32>
    %reduce_sum3A = arith.constant dense<0> : vector<8xi32>
    %reduce_sum3A_282 = vector.multi_reduction <add>, %convert_element_type3A_281, %reduce_sum3A [1] : vector<8x1024xi32> to vector<8xi32>
    %broadcast_in_dim3A_283 = vector.shape_cast %reduce_sum3A_282 : vector<8xi32> to vector<8x1xi32>
    %ge3A_284 = arith.constant 716 : i32
    %ge3A_285 = vector.broadcast %ge3A_284 : i32 to vector<8x1xi32>
    %ge3A_286 = arith.cmpi sge, %broadcast_in_dim3A_283, %ge3A_285 : vector<8x1xi32>
    %select_n3A_287 = arith.select %ge3A_286, %or3A_275, %broadcast_in_dim3A_273 : vector<8x1xi1>, vector<8x1xi32>
    %or3A_288 = arith.constant 1073741824 : i32
    %or3A_289 = vector.broadcast %or3A_288 : i32 to vector<8x1xi32>
    %or3A_290 = arith.ori %select_n3A_287, %or3A_289 : vector<8x1xi32>
    %xor3A_291 = arith.constant -2147483648 : i32
    %xor3A_292 = vector.broadcast %xor3A_291 : i32 to vector<8x1xi32>
    %xor3A_293 = arith.xori %or3A_290, %xor3A_292 : vector<8x1xi32>
    %ge3A_294 = vector.broadcast %xor3A_293 : vector<8x1xi32> to vector<8x1024xi32>
    %ge3A_295 = arith.cmpi sge, %select_n3A, %ge3A_294 : vector<8x1024xi32>
    %convert_element_type3A_296 = arith.extui %ge3A_295 : vector<8x1024xi1> to vector<8x1024xi32>
    %reduce_sum3A_297 = arith.constant dense<0> : vector<8xi32>
    %reduce_sum3A_298 = vector.multi_reduction <add>, %convert_element_type3A_296, %reduce_sum3A_297 [1] : vector<8x1024xi32> to vector<8xi32>
    %broadcast_in_dim3A_299 = vector.shape_cast %reduce_sum3A_298 : vector<8xi32> to vector<8x1xi32>
    %ge3A_300 = arith.constant 716 : i32
    %ge3A_301 = vector.broadcast %ge3A_300 : i32 to vector<8x1xi32>
    %ge3A_302 = arith.cmpi sge, %broadcast_in_dim3A_299, %ge3A_301 : vector<8x1xi32>
    %select_n3A_303 = arith.select %ge3A_302, %or3A_290, %select_n3A_287 : vector<8x1xi1>, vector<8x1xi32>
    %or3A_304 = arith.constant 536870912 : i32
    %or3A_305 = vector.broadcast %or3A_304 : i32 to vector<8x1xi32>
    %or3A_306 = arith.ori %select_n3A_303, %or3A_305 : vector<8x1xi32>
    %xor3A_307 = arith.constant -2147483648 : i32
    %xor3A_308 = vector.broadcast %xor3A_307 : i32 to vector<8x1xi32>
    %xor3A_309 = arith.xori %or3A_306, %xor3A_308 : vector<8x1xi32>
    %ge3A_310 = vector.broadcast %xor3A_309 : vector<8x1xi32> to vector<8x1024xi32>
    %ge3A_311 = arith.cmpi sge, %select_n3A, %ge3A_310 : vector<8x1024xi32>
    %convert_element_type3A_312 = arith.extui %ge3A_311 : vector<8x1024xi1> to vector<8x1024xi32>
    %reduce_sum3A_313 = arith.constant dense<0> : vector<8xi32>
    %reduce_sum3A_314 = vector.multi_reduction <add>, %convert_element_type3A_312, %reduce_sum3A_313 [1] : vector<8x1024xi32> to vector<8xi32>
    %broadcast_in_dim3A_315 = vector.shape_cast %reduce_sum3A_314 : vector<8xi32> to vector<8x1xi32>
    %ge3A_316 = arith.constant 716 : i32
    %ge3A_317 = vector.broadcast %ge3A_316 : i32 to vector<8x1xi32>
    %ge3A_318 = arith.cmpi sge, %broadcast_in_dim3A_315, %ge3A_317 : vector<8x1xi32>
    %select_n3A_319 = arith.select %ge3A_318, %or3A_306, %select_n3A_303 : vector<8x1xi1>, vector<8x1xi32>
    %or3A_320 = arith.constant 268435456 : i32
    %or3A_321 = vector.broadcast %or3A_320 : i32 to vector<8x1xi32>
    %or3A_322 = arith.ori %select_n3A_319, %or3A_321 : vector<8x1xi32>
    %xor3A_323 = arith.constant -2147483648 : i32
    %xor3A_324 = vector.broadcast %xor3A_323 : i32 to vector<8x1xi32>
    %xor3A_325 = arith.xori %or3A_322, %xor3A_324 : vector<8x1xi32>
    %ge3A_326 = vector.broadcast %xor3A_325 : vector<8x1xi32> to vector<8x1024xi32>
    %ge3A_327 = arith.cmpi sge, %select_n3A, %ge3A_326 : vector<8x1024xi32>
    %convert_element_type3A_328 = arith.extui %ge3A_327 : vector<8x1024xi1> to vector<8x1024xi32>
    %reduce_sum3A_329 = arith.constant dense<0> : vector<8xi32>
    %reduce_sum3A_330 = vector.multi_reduction <add>, %convert_element_type3A_328, %reduce_sum3A_329 [1] : vector<8x1024xi32> to vector<8xi32>
    %broadcast_in_dim3A_331 = vector.shape_cast %reduce_sum3A_330 : vector<8xi32> to vector<8x1xi32>
    %ge3A_332 = arith.constant 716 : i32
    %ge3A_333 = vector.broadcast %ge3A_332 : i32 to vector<8x1xi32>
    %ge3A_334 = arith.cmpi sge, %broadcast_in_dim3A_331, %ge3A_333 : vector<8x1xi32>
    %select_n3A_335 = arith.select %ge3A_334, %or3A_322, %select_n3A_319 : vector<8x1xi1>, vector<8x1xi32>
    %or3A_336 = arith.constant 134217728 : i32
    %or3A_337 = vector.broadcast %or3A_336 : i32 to vector<8x1xi32>
    %or3A_338 = arith.ori %select_n3A_335, %or3A_337 : vector<8x1xi32>
    %xor3A_339 = arith.constant -2147483648 : i32
    %xor3A_340 = vector.broadcast %xor3A_339 : i32 to vector<8x1xi32>
    %xor3A_341 = arith.xori %or3A_338, %xor3A_340 : vector<8x1xi32>
    %ge3A_342 = vector.broadcast %xor3A_341 : vector<8x1xi32> to vector<8x1024xi32>
    %ge3A_343 = arith.cmpi sge, %select_n3A, %ge3A_342 : vector<8x1024xi32>
    %convert_element_type3A_344 = arith.extui %ge3A_343 : vector<8x1024xi1> to vector<8x1024xi32>
    %reduce_sum3A_345 = arith.constant dense<0> : vector<8xi32>
    %reduce_sum3A_346 = vector.multi_reduction <add>, %convert_element_type3A_344, %reduce_sum3A_345 [1] : vector<8x1024xi32> to vector<8xi32>
    %broadcast_in_dim3A_347 = vector.shape_cast %reduce_sum3A_346 : vector<8xi32> to vector<8x1xi32>
    %ge3A_348 = arith.constant 716 : i32
    %ge3A_349 = vector.broadcast %ge3A_348 : i32 to vector<8x1xi32>
    %ge3A_350 = arith.cmpi sge, %broadcast_in_dim3A_347, %ge3A_349 : vector<8x1xi32>
    %select_n3A_351 = arith.select %ge3A_350, %or3A_338, %select_n3A_335 : vector<8x1xi1>, vector<8x1xi32>
    %or3A_352 = arith.constant 67108864 : i32
    %or3A_353 = vector.broadcast %or3A_352 : i32 to vector<8x1xi32>
    %or3A_354 = arith.ori %select_n3A_351, %or3A_353 : vector<8x1xi32>
    %xor3A_355 = arith.constant -2147483648 : i32
    %xor3A_356 = vector.broadcast %xor3A_355 : i32 to vector<8x1xi32>
    %xor3A_357 = arith.xori %or3A_354, %xor3A_356 : vector<8x1xi32>
    %ge3A_358 = vector.broadcast %xor3A_357 : vector<8x1xi32> to vector<8x1024xi32>
    %ge3A_359 = arith.cmpi sge, %select_n3A, %ge3A_358 : vector<8x1024xi32>
    %convert_element_type3A_360 = arith.extui %ge3A_359 : vector<8x1024xi1> to vector<8x1024xi32>
    %reduce_sum3A_361 = arith.constant dense<0> : vector<8xi32>
    %reduce_sum3A_362 = vector.multi_reduction <add>, %convert_element_type3A_360, %reduce_sum3A_361 [1] : vector<8x1024xi32> to vector<8xi32>
    %broadcast_in_dim3A_363 = vector.shape_cast %reduce_sum3A_362 : vector<8xi32> to vector<8x1xi32>
    %ge3A_364 = arith.constant 716 : i32
    %ge3A_365 = vector.broadcast %ge3A_364 : i32 to vector<8x1xi32>
    %ge3A_366 = arith.cmpi sge, %broadcast_in_dim3A_363, %ge3A_365 : vector<8x1xi32>
    %select_n3A_367 = arith.select %ge3A_366, %or3A_354, %select_n3A_351 : vector<8x1xi1>, vector<8x1xi32>
    %or3A_368 = arith.constant 33554432 : i32
    %or3A_369 = vector.broadcast %or3A_368 : i32 to vector<8x1xi32>
    %or3A_370 = arith.ori %select_n3A_367, %or3A_369 : vector<8x1xi32>
    %xor3A_371 = arith.constant -2147483648 : i32
    %xor3A_372 = vector.broadcast %xor3A_371 : i32 to vector<8x1xi32>
    %xor3A_373 = arith.xori %or3A_370, %xor3A_372 : vector<8x1xi32>
    %ge3A_374 = vector.broadcast %xor3A_373 : vector<8x1xi32> to vector<8x1024xi32>
    %ge3A_375 = arith.cmpi sge, %select_n3A, %ge3A_374 : vector<8x1024xi32>
    %convert_element_type3A_376 = arith.extui %ge3A_375 : vector<8x1024xi1> to vector<8x1024xi32>
    %reduce_sum3A_377 = arith.constant dense<0> : vector<8xi32>
    %reduce_sum3A_378 = vector.multi_reduction <add>, %convert_element_type3A_376, %reduce_sum3A_377 [1] : vector<8x1024xi32> to vector<8xi32>
    %broadcast_in_dim3A_379 = vector.shape_cast %reduce_sum3A_378 : vector<8xi32> to vector<8x1xi32>
    %ge3A_380 = arith.constant 716 : i32
    %ge3A_381 = vector.broadcast %ge3A_380 : i32 to vector<8x1xi32>
    %ge3A_382 = arith.cmpi sge, %broadcast_in_dim3A_379, %ge3A_381 : vector<8x1xi32>
    %select_n3A_383 = arith.select %ge3A_382, %or3A_370, %select_n3A_367 : vector<8x1xi1>, vector<8x1xi32>
    %or3A_384 = arith.constant 16777216 : i32
    %or3A_385 = vector.broadcast %or3A_384 : i32 to vector<8x1xi32>
    %or3A_386 = arith.ori %select_n3A_383, %or3A_385 : vector<8x1xi32>
    %xor3A_387 = arith.constant -2147483648 : i32
    %xor3A_388 = vector.broadcast %xor3A_387 : i32 to vector<8x1xi32>
    %xor3A_389 = arith.xori %or3A_386, %xor3A_388 : vector<8x1xi32>
    %ge3A_390 = vector.broadcast %xor3A_389 : vector<8x1xi32> to vector<8x1024xi32>
    %ge3A_391 = arith.cmpi sge, %select_n3A, %ge3A_390 : vector<8x1024xi32>
    %convert_element_type3A_392 = arith.extui %ge3A_391 : vector<8x1024xi1> to vector<8x1024xi32>
    %reduce_sum3A_393 = arith.constant dense<0> : vector<8xi32>
    %reduce_sum3A_394 = vector.multi_reduction <add>, %convert_element_type3A_392, %reduce_sum3A_393 [1] : vector<8x1024xi32> to vector<8xi32>
    %broadcast_in_dim3A_395 = vector.shape_cast %reduce_sum3A_394 : vector<8xi32> to vector<8x1xi32>
    %ge3A_396 = arith.constant 716 : i32
    %ge3A_397 = vector.broadcast %ge3A_396 : i32 to vector<8x1xi32>
    %ge3A_398 = arith.cmpi sge, %broadcast_in_dim3A_395, %ge3A_397 : vector<8x1xi32>
    %select_n3A_399 = arith.select %ge3A_398, %or3A_386, %select_n3A_383 : vector<8x1xi1>, vector<8x1xi32>
    %or3A_400 = arith.constant 8388608 : i32
    %or3A_401 = vector.broadcast %or3A_400 : i32 to vector<8x1xi32>
    %or3A_402 = arith.ori %select_n3A_399, %or3A_401 : vector<8x1xi32>
    %xor3A_403 = arith.constant -2147483648 : i32
    %xor3A_404 = vector.broadcast %xor3A_403 : i32 to vector<8x1xi32>
    %xor3A_405 = arith.xori %or3A_402, %xor3A_404 : vector<8x1xi32>
    %ge3A_406 = vector.broadcast %xor3A_405 : vector<8x1xi32> to vector<8x1024xi32>
    %ge3A_407 = arith.cmpi sge, %select_n3A, %ge3A_406 : vector<8x1024xi32>
    %convert_element_type3A_408 = arith.extui %ge3A_407 : vector<8x1024xi1> to vector<8x1024xi32>
    %reduce_sum3A_409 = arith.constant dense<0> : vector<8xi32>
    %reduce_sum3A_410 = vector.multi_reduction <add>, %convert_element_type3A_408, %reduce_sum3A_409 [1] : vector<8x1024xi32> to vector<8xi32>
    %broadcast_in_dim3A_411 = vector.shape_cast %reduce_sum3A_410 : vector<8xi32> to vector<8x1xi32>
    %ge3A_412 = arith.constant 716 : i32
    %ge3A_413 = vector.broadcast %ge3A_412 : i32 to vector<8x1xi32>
    %ge3A_414 = arith.cmpi sge, %broadcast_in_dim3A_411, %ge3A_413 : vector<8x1xi32>
    %select_n3A_415 = arith.select %ge3A_414, %or3A_402, %select_n3A_399 : vector<8x1xi1>, vector<8x1xi32>
    %or3A_416 = arith.constant 4194304 : i32
    %or3A_417 = vector.broadcast %or3A_416 : i32 to vector<8x1xi32>
    %or3A_418 = arith.ori %select_n3A_415, %or3A_417 : vector<8x1xi32>
    %xor3A_419 = arith.constant -2147483648 : i32
    %xor3A_420 = vector.broadcast %xor3A_419 : i32 to vector<8x1xi32>
    %xor3A_421 = arith.xori %or3A_418, %xor3A_420 : vector<8x1xi32>
    %ge3A_422 = vector.broadcast %xor3A_421 : vector<8x1xi32> to vector<8x1024xi32>
    %ge3A_423 = arith.cmpi sge, %select_n3A, %ge3A_422 : vector<8x1024xi32>
    %convert_element_type3A_424 = arith.extui %ge3A_423 : vector<8x1024xi1> to vector<8x1024xi32>
    %reduce_sum3A_425 = arith.constant dense<0> : vector<8xi32>
    %reduce_sum3A_426 = vector.multi_reduction <add>, %convert_element_type3A_424, %reduce_sum3A_425 [1] : vector<8x1024xi32> to vector<8xi32>
    %broadcast_in_dim3A_427 = vector.shape_cast %reduce_sum3A_426 : vector<8xi32> to vector<8x1xi32>
    %ge3A_428 = arith.constant 716 : i32
    %ge3A_429 = vector.broadcast %ge3A_428 : i32 to vector<8x1xi32>
    %ge3A_430 = arith.cmpi sge, %broadcast_in_dim3A_427, %ge3A_429 : vector<8x1xi32>
    %select_n3A_431 = arith.select %ge3A_430, %or3A_418, %select_n3A_415 : vector<8x1xi1>, vector<8x1xi32>
    %or3A_432 = arith.constant 2097152 : i32
    %or3A_433 = vector.broadcast %or3A_432 : i32 to vector<8x1xi32>
    %or3A_434 = arith.ori %select_n3A_431, %or3A_433 : vector<8x1xi32>
    %xor3A_435 = arith.constant -2147483648 : i32
    %xor3A_436 = vector.broadcast %xor3A_435 : i32 to vector<8x1xi32>
    %xor3A_437 = arith.xori %or3A_434, %xor3A_436 : vector<8x1xi32>
    %ge3A_438 = vector.broadcast %xor3A_437 : vector<8x1xi32> to vector<8x1024xi32>
    %ge3A_439 = arith.cmpi sge, %select_n3A, %ge3A_438 : vector<8x1024xi32>
    %convert_element_type3A_440 = arith.extui %ge3A_439 : vector<8x1024xi1> to vector<8x1024xi32>
    %reduce_sum3A_441 = arith.constant dense<0> : vector<8xi32>
    %reduce_sum3A_442 = vector.multi_reduction <add>, %convert_element_type3A_440, %reduce_sum3A_441 [1] : vector<8x1024xi32> to vector<8xi32>
    %broadcast_in_dim3A_443 = vector.shape_cast %reduce_sum3A_442 : vector<8xi32> to vector<8x1xi32>
    %ge3A_444 = arith.constant 716 : i32
    %ge3A_445 = vector.broadcast %ge3A_444 : i32 to vector<8x1xi32>
    %ge3A_446 = arith.cmpi sge, %broadcast_in_dim3A_443, %ge3A_445 : vector<8x1xi32>
    %select_n3A_447 = arith.select %ge3A_446, %or3A_434, %select_n3A_431 : vector<8x1xi1>, vector<8x1xi32>
    %or3A_448 = arith.constant 1048576 : i32
    %or3A_449 = vector.broadcast %or3A_448 : i32 to vector<8x1xi32>
    %or3A_450 = arith.ori %select_n3A_447, %or3A_449 : vector<8x1xi32>
    %xor3A_451 = arith.constant -2147483648 : i32
    %xor3A_452 = vector.broadcast %xor3A_451 : i32 to vector<8x1xi32>
    %xor3A_453 = arith.xori %or3A_450, %xor3A_452 : vector<8x1xi32>
    %ge3A_454 = vector.broadcast %xor3A_453 : vector<8x1xi32> to vector<8x1024xi32>
    %ge3A_455 = arith.cmpi sge, %select_n3A, %ge3A_454 : vector<8x1024xi32>
    %convert_element_type3A_456 = arith.extui %ge3A_455 : vector<8x1024xi1> to vector<8x1024xi32>
    %reduce_sum3A_457 = arith.constant dense<0> : vector<8xi32>
    %reduce_sum3A_458 = vector.multi_reduction <add>, %convert_element_type3A_456, %reduce_sum3A_457 [1] : vector<8x1024xi32> to vector<8xi32>
    %broadcast_in_dim3A_459 = vector.shape_cast %reduce_sum3A_458 : vector<8xi32> to vector<8x1xi32>
    %ge3A_460 = arith.constant 716 : i32
    %ge3A_461 = vector.broadcast %ge3A_460 : i32 to vector<8x1xi32>
    %ge3A_462 = arith.cmpi sge, %broadcast_in_dim3A_459, %ge3A_461 : vector<8x1xi32>
    %select_n3A_463 = arith.select %ge3A_462, %or3A_450, %select_n3A_447 : vector<8x1xi1>, vector<8x1xi32>
    %or3A_464 = arith.constant 524288 : i32
    %or3A_465 = vector.broadcast %or3A_464 : i32 to vector<8x1xi32>
    %or3A_466 = arith.ori %select_n3A_463, %or3A_465 : vector<8x1xi32>
    %xor3A_467 = arith.constant -2147483648 : i32
    %xor3A_468 = vector.broadcast %xor3A_467 : i32 to vector<8x1xi32>
    %xor3A_469 = arith.xori %or3A_466, %xor3A_468 : vector<8x1xi32>
    %ge3A_470 = vector.broadcast %xor3A_469 : vector<8x1xi32> to vector<8x1024xi32>
    %ge3A_471 = arith.cmpi sge, %select_n3A, %ge3A_470 : vector<8x1024xi32>
    %convert_element_type3A_472 = arith.extui %ge3A_471 : vector<8x1024xi1> to vector<8x1024xi32>
    %reduce_sum3A_473 = arith.constant dense<0> : vector<8xi32>
    %reduce_sum3A_474 = vector.multi_reduction <add>, %convert_element_type3A_472, %reduce_sum3A_473 [1] : vector<8x1024xi32> to vector<8xi32>
    %broadcast_in_dim3A_475 = vector.shape_cast %reduce_sum3A_474 : vector<8xi32> to vector<8x1xi32>
    %ge3A_476 = arith.constant 716 : i32
    %ge3A_477 = vector.broadcast %ge3A_476 : i32 to vector<8x1xi32>
    %ge3A_478 = arith.cmpi sge, %broadcast_in_dim3A_475, %ge3A_477 : vector<8x1xi32>
    %select_n3A_479 = arith.select %ge3A_478, %or3A_466, %select_n3A_463 : vector<8x1xi1>, vector<8x1xi32>
    %or3A_480 = arith.constant 262144 : i32
    %or3A_481 = vector.broadcast %or3A_480 : i32 to vector<8x1xi32>
    %or3A_482 = arith.ori %select_n3A_479, %or3A_481 : vector<8x1xi32>
    %xor3A_483 = arith.constant -2147483648 : i32
    %xor3A_484 = vector.broadcast %xor3A_483 : i32 to vector<8x1xi32>
    %xor3A_485 = arith.xori %or3A_482, %xor3A_484 : vector<8x1xi32>
    %ge3A_486 = vector.broadcast %xor3A_485 : vector<8x1xi32> to vector<8x1024xi32>
    %ge3A_487 = arith.cmpi sge, %select_n3A, %ge3A_486 : vector<8x1024xi32>
    %convert_element_type3A_488 = arith.extui %ge3A_487 : vector<8x1024xi1> to vector<8x1024xi32>
    %reduce_sum3A_489 = arith.constant dense<0> : vector<8xi32>
    %reduce_sum3A_490 = vector.multi_reduction <add>, %convert_element_type3A_488, %reduce_sum3A_489 [1] : vector<8x1024xi32> to vector<8xi32>
    %broadcast_in_dim3A_491 = vector.shape_cast %reduce_sum3A_490 : vector<8xi32> to vector<8x1xi32>
    %ge3A_492 = arith.constant 716 : i32
    %ge3A_493 = vector.broadcast %ge3A_492 : i32 to vector<8x1xi32>
    %ge3A_494 = arith.cmpi sge, %broadcast_in_dim3A_491, %ge3A_493 : vector<8x1xi32>
    %select_n3A_495 = arith.select %ge3A_494, %or3A_482, %select_n3A_479 : vector<8x1xi1>, vector<8x1xi32>
    %or3A_496 = arith.constant 131072 : i32
    %or3A_497 = vector.broadcast %or3A_496 : i32 to vector<8x1xi32>
    %or3A_498 = arith.ori %select_n3A_495, %or3A_497 : vector<8x1xi32>
    %xor3A_499 = arith.constant -2147483648 : i32
    %xor3A_500 = vector.broadcast %xor3A_499 : i32 to vector<8x1xi32>
    %xor3A_501 = arith.xori %or3A_498, %xor3A_500 : vector<8x1xi32>
    %ge3A_502 = vector.broadcast %xor3A_501 : vector<8x1xi32> to vector<8x1024xi32>
    %ge3A_503 = arith.cmpi sge, %select_n3A, %ge3A_502 : vector<8x1024xi32>
    %convert_element_type3A_504 = arith.extui %ge3A_503 : vector<8x1024xi1> to vector<8x1024xi32>
    %reduce_sum3A_505 = arith.constant dense<0> : vector<8xi32>
    %reduce_sum3A_506 = vector.multi_reduction <add>, %convert_element_type3A_504, %reduce_sum3A_505 [1] : vector<8x1024xi32> to vector<8xi32>
    %broadcast_in_dim3A_507 = vector.shape_cast %reduce_sum3A_506 : vector<8xi32> to vector<8x1xi32>
    %ge3A_508 = arith.constant 716 : i32
    %ge3A_509 = vector.broadcast %ge3A_508 : i32 to vector<8x1xi32>
    %ge3A_510 = arith.cmpi sge, %broadcast_in_dim3A_507, %ge3A_509 : vector<8x1xi32>
    %select_n3A_511 = arith.select %ge3A_510, %or3A_498, %select_n3A_495 : vector<8x1xi1>, vector<8x1xi32>
    %or3A_512 = arith.constant 65536 : i32
    %or3A_513 = vector.broadcast %or3A_512 : i32 to vector<8x1xi32>
    %or3A_514 = arith.ori %select_n3A_511, %or3A_513 : vector<8x1xi32>
    %xor3A_515 = arith.constant -2147483648 : i32
    %xor3A_516 = vector.broadcast %xor3A_515 : i32 to vector<8x1xi32>
    %xor3A_517 = arith.xori %or3A_514, %xor3A_516 : vector<8x1xi32>
    %ge3A_518 = vector.broadcast %xor3A_517 : vector<8x1xi32> to vector<8x1024xi32>
    %ge3A_519 = arith.cmpi sge, %select_n3A, %ge3A_518 : vector<8x1024xi32>
    %convert_element_type3A_520 = arith.extui %ge3A_519 : vector<8x1024xi1> to vector<8x1024xi32>
    %reduce_sum3A_521 = arith.constant dense<0> : vector<8xi32>
    %reduce_sum3A_522 = vector.multi_reduction <add>, %convert_element_type3A_520, %reduce_sum3A_521 [1] : vector<8x1024xi32> to vector<8xi32>
    %broadcast_in_dim3A_523 = vector.shape_cast %reduce_sum3A_522 : vector<8xi32> to vector<8x1xi32>
    %ge3A_524 = arith.constant 716 : i32
    %ge3A_525 = vector.broadcast %ge3A_524 : i32 to vector<8x1xi32>
    %ge3A_526 = arith.cmpi sge, %broadcast_in_dim3A_523, %ge3A_525 : vector<8x1xi32>
    %select_n3A_527 = arith.select %ge3A_526, %or3A_514, %select_n3A_511 : vector<8x1xi1>, vector<8x1xi32>
    %or3A_528 = arith.constant 32768 : i32
    %or3A_529 = vector.broadcast %or3A_528 : i32 to vector<8x1xi32>
    %or3A_530 = arith.ori %select_n3A_527, %or3A_529 : vector<8x1xi32>
    %xor3A_531 = arith.constant -2147483648 : i32
    %xor3A_532 = vector.broadcast %xor3A_531 : i32 to vector<8x1xi32>
    %xor3A_533 = arith.xori %or3A_530, %xor3A_532 : vector<8x1xi32>
    %ge3A_534 = vector.broadcast %xor3A_533 : vector<8x1xi32> to vector<8x1024xi32>
    %ge3A_535 = arith.cmpi sge, %select_n3A, %ge3A_534 : vector<8x1024xi32>
    %convert_element_type3A_536 = arith.extui %ge3A_535 : vector<8x1024xi1> to vector<8x1024xi32>
    %reduce_sum3A_537 = arith.constant dense<0> : vector<8xi32>
    %reduce_sum3A_538 = vector.multi_reduction <add>, %convert_element_type3A_536, %reduce_sum3A_537 [1] : vector<8x1024xi32> to vector<8xi32>
    %broadcast_in_dim3A_539 = vector.shape_cast %reduce_sum3A_538 : vector<8xi32> to vector<8x1xi32>
    %ge3A_540 = arith.constant 716 : i32
    %ge3A_541 = vector.broadcast %ge3A_540 : i32 to vector<8x1xi32>
    %ge3A_542 = arith.cmpi sge, %broadcast_in_dim3A_539, %ge3A_541 : vector<8x1xi32>
    %select_n3A_543 = arith.select %ge3A_542, %or3A_530, %select_n3A_527 : vector<8x1xi1>, vector<8x1xi32>
    %or3A_544 = arith.constant 16384 : i32
    %or3A_545 = vector.broadcast %or3A_544 : i32 to vector<8x1xi32>
    %or3A_546 = arith.ori %select_n3A_543, %or3A_545 : vector<8x1xi32>
    %xor3A_547 = arith.constant -2147483648 : i32
    %xor3A_548 = vector.broadcast %xor3A_547 : i32 to vector<8x1xi32>
    %xor3A_549 = arith.xori %or3A_546, %xor3A_548 : vector<8x1xi32>
    %ge3A_550 = vector.broadcast %xor3A_549 : vector<8x1xi32> to vector<8x1024xi32>
    %ge3A_551 = arith.cmpi sge, %select_n3A, %ge3A_550 : vector<8x1024xi32>
    %convert_element_type3A_552 = arith.extui %ge3A_551 : vector<8x1024xi1> to vector<8x1024xi32>
    %reduce_sum3A_553 = arith.constant dense<0> : vector<8xi32>
    %reduce_sum3A_554 = vector.multi_reduction <add>, %convert_element_type3A_552, %reduce_sum3A_553 [1] : vector<8x1024xi32> to vector<8xi32>
    %broadcast_in_dim3A_555 = vector.shape_cast %reduce_sum3A_554 : vector<8xi32> to vector<8x1xi32>
    %ge3A_556 = arith.constant 716 : i32
    %ge3A_557 = vector.broadcast %ge3A_556 : i32 to vector<8x1xi32>
    %ge3A_558 = arith.cmpi sge, %broadcast_in_dim3A_555, %ge3A_557 : vector<8x1xi32>
    %select_n3A_559 = arith.select %ge3A_558, %or3A_546, %select_n3A_543 : vector<8x1xi1>, vector<8x1xi32>
    %or3A_560 = arith.constant 8192 : i32
    %or3A_561 = vector.broadcast %or3A_560 : i32 to vector<8x1xi32>
    %or3A_562 = arith.ori %select_n3A_559, %or3A_561 : vector<8x1xi32>
    %xor3A_563 = arith.constant -2147483648 : i32
    %xor3A_564 = vector.broadcast %xor3A_563 : i32 to vector<8x1xi32>
    %xor3A_565 = arith.xori %or3A_562, %xor3A_564 : vector<8x1xi32>
    %ge3A_566 = vector.broadcast %xor3A_565 : vector<8x1xi32> to vector<8x1024xi32>
    %ge3A_567 = arith.cmpi sge, %select_n3A, %ge3A_566 : vector<8x1024xi32>
    %convert_element_type3A_568 = arith.extui %ge3A_567 : vector<8x1024xi1> to vector<8x1024xi32>
    %reduce_sum3A_569 = arith.constant dense<0> : vector<8xi32>
    %reduce_sum3A_570 = vector.multi_reduction <add>, %convert_element_type3A_568, %reduce_sum3A_569 [1] : vector<8x1024xi32> to vector<8xi32>
    %broadcast_in_dim3A_571 = vector.shape_cast %reduce_sum3A_570 : vector<8xi32> to vector<8x1xi32>
    %ge3A_572 = arith.constant 716 : i32
    %ge3A_573 = vector.broadcast %ge3A_572 : i32 to vector<8x1xi32>
    %ge3A_574 = arith.cmpi sge, %broadcast_in_dim3A_571, %ge3A_573 : vector<8x1xi32>
    %select_n3A_575 = arith.select %ge3A_574, %or3A_562, %select_n3A_559 : vector<8x1xi1>, vector<8x1xi32>
    %or3A_576 = arith.constant 4096 : i32
    %or3A_577 = vector.broadcast %or3A_576 : i32 to vector<8x1xi32>
    %or3A_578 = arith.ori %select_n3A_575, %or3A_577 : vector<8x1xi32>
    %xor3A_579 = arith.constant -2147483648 : i32
    %xor3A_580 = vector.broadcast %xor3A_579 : i32 to vector<8x1xi32>
    %xor3A_581 = arith.xori %or3A_578, %xor3A_580 : vector<8x1xi32>
    %ge3A_582 = vector.broadcast %xor3A_581 : vector<8x1xi32> to vector<8x1024xi32>
    %ge3A_583 = arith.cmpi sge, %select_n3A, %ge3A_582 : vector<8x1024xi32>
    %convert_element_type3A_584 = arith.extui %ge3A_583 : vector<8x1024xi1> to vector<8x1024xi32>
    %reduce_sum3A_585 = arith.constant dense<0> : vector<8xi32>
    %reduce_sum3A_586 = vector.multi_reduction <add>, %convert_element_type3A_584, %reduce_sum3A_585 [1] : vector<8x1024xi32> to vector<8xi32>
    %broadcast_in_dim3A_587 = vector.shape_cast %reduce_sum3A_586 : vector<8xi32> to vector<8x1xi32>
    %ge3A_588 = arith.constant 716 : i32
    %ge3A_589 = vector.broadcast %ge3A_588 : i32 to vector<8x1xi32>
    %ge3A_590 = arith.cmpi sge, %broadcast_in_dim3A_587, %ge3A_589 : vector<8x1xi32>
    %select_n3A_591 = arith.select %ge3A_590, %or3A_578, %select_n3A_575 : vector<8x1xi1>, vector<8x1xi32>
    %or3A_592 = arith.constant 2048 : i32
    %or3A_593 = vector.broadcast %or3A_592 : i32 to vector<8x1xi32>
    %or3A_594 = arith.ori %select_n3A_591, %or3A_593 : vector<8x1xi32>
    %xor3A_595 = arith.constant -2147483648 : i32
    %xor3A_596 = vector.broadcast %xor3A_595 : i32 to vector<8x1xi32>
    %xor3A_597 = arith.xori %or3A_594, %xor3A_596 : vector<8x1xi32>
    %ge3A_598 = vector.broadcast %xor3A_597 : vector<8x1xi32> to vector<8x1024xi32>
    %ge3A_599 = arith.cmpi sge, %select_n3A, %ge3A_598 : vector<8x1024xi32>
    %convert_element_type3A_600 = arith.extui %ge3A_599 : vector<8x1024xi1> to vector<8x1024xi32>
    %reduce_sum3A_601 = arith.constant dense<0> : vector<8xi32>
    %reduce_sum3A_602 = vector.multi_reduction <add>, %convert_element_type3A_600, %reduce_sum3A_601 [1] : vector<8x1024xi32> to vector<8xi32>
    %broadcast_in_dim3A_603 = vector.shape_cast %reduce_sum3A_602 : vector<8xi32> to vector<8x1xi32>
    %ge3A_604 = arith.constant 716 : i32
    %ge3A_605 = vector.broadcast %ge3A_604 : i32 to vector<8x1xi32>
    %ge3A_606 = arith.cmpi sge, %broadcast_in_dim3A_603, %ge3A_605 : vector<8x1xi32>
    %select_n3A_607 = arith.select %ge3A_606, %or3A_594, %select_n3A_591 : vector<8x1xi1>, vector<8x1xi32>
    %or3A_608 = arith.constant 1024 : i32
    %or3A_609 = vector.broadcast %or3A_608 : i32 to vector<8x1xi32>
    %or3A_610 = arith.ori %select_n3A_607, %or3A_609 : vector<8x1xi32>
    %xor3A_611 = arith.constant -2147483648 : i32
    %xor3A_612 = vector.broadcast %xor3A_611 : i32 to vector<8x1xi32>
    %xor3A_613 = arith.xori %or3A_610, %xor3A_612 : vector<8x1xi32>
    %ge3A_614 = vector.broadcast %xor3A_613 : vector<8x1xi32> to vector<8x1024xi32>
    %ge3A_615 = arith.cmpi sge, %select_n3A, %ge3A_614 : vector<8x1024xi32>
    %convert_element_type3A_616 = arith.extui %ge3A_615 : vector<8x1024xi1> to vector<8x1024xi32>
    %reduce_sum3A_617 = arith.constant dense<0> : vector<8xi32>
    %reduce_sum3A_618 = vector.multi_reduction <add>, %convert_element_type3A_616, %reduce_sum3A_617 [1] : vector<8x1024xi32> to vector<8xi32>
    %broadcast_in_dim3A_619 = vector.shape_cast %reduce_sum3A_618 : vector<8xi32> to vector<8x1xi32>
    %ge3A_620 = arith.constant 716 : i32
    %ge3A_621 = vector.broadcast %ge3A_620 : i32 to vector<8x1xi32>
    %ge3A_622 = arith.cmpi sge, %broadcast_in_dim3A_619, %ge3A_621 : vector<8x1xi32>
    %select_n3A_623 = arith.select %ge3A_622, %or3A_610, %select_n3A_607 : vector<8x1xi1>, vector<8x1xi32>
    %or3A_624 = arith.constant 512 : i32
    %or3A_625 = vector.broadcast %or3A_624 : i32 to vector<8x1xi32>
    %or3A_626 = arith.ori %select_n3A_623, %or3A_625 : vector<8x1xi32>
    %xor3A_627 = arith.constant -2147483648 : i32
    %xor3A_628 = vector.broadcast %xor3A_627 : i32 to vector<8x1xi32>
    %xor3A_629 = arith.xori %or3A_626, %xor3A_628 : vector<8x1xi32>
    %ge3A_630 = vector.broadcast %xor3A_629 : vector<8x1xi32> to vector<8x1024xi32>
    %ge3A_631 = arith.cmpi sge, %select_n3A, %ge3A_630 : vector<8x1024xi32>
    %convert_element_type3A_632 = arith.extui %ge3A_631 : vector<8x1024xi1> to vector<8x1024xi32>
    %reduce_sum3A_633 = arith.constant dense<0> : vector<8xi32>
    %reduce_sum3A_634 = vector.multi_reduction <add>, %convert_element_type3A_632, %reduce_sum3A_633 [1] : vector<8x1024xi32> to vector<8xi32>
    %broadcast_in_dim3A_635 = vector.shape_cast %reduce_sum3A_634 : vector<8xi32> to vector<8x1xi32>
    %ge3A_636 = arith.constant 716 : i32
    %ge3A_637 = vector.broadcast %ge3A_636 : i32 to vector<8x1xi32>
    %ge3A_638 = arith.cmpi sge, %broadcast_in_dim3A_635, %ge3A_637 : vector<8x1xi32>
    %select_n3A_639 = arith.select %ge3A_638, %or3A_626, %select_n3A_623 : vector<8x1xi1>, vector<8x1xi32>
    %or3A_640 = arith.constant 256 : i32
    %or3A_641 = vector.broadcast %or3A_640 : i32 to vector<8x1xi32>
    %or3A_642 = arith.ori %select_n3A_639, %or3A_641 : vector<8x1xi32>
    %xor3A_643 = arith.constant -2147483648 : i32
    %xor3A_644 = vector.broadcast %xor3A_643 : i32 to vector<8x1xi32>
    %xor3A_645 = arith.xori %or3A_642, %xor3A_644 : vector<8x1xi32>
    %ge3A_646 = vector.broadcast %xor3A_645 : vector<8x1xi32> to vector<8x1024xi32>
    %ge3A_647 = arith.cmpi sge, %select_n3A, %ge3A_646 : vector<8x1024xi32>
    %convert_element_type3A_648 = arith.extui %ge3A_647 : vector<8x1024xi1> to vector<8x1024xi32>
    %reduce_sum3A_649 = arith.constant dense<0> : vector<8xi32>
    %reduce_sum3A_650 = vector.multi_reduction <add>, %convert_element_type3A_648, %reduce_sum3A_649 [1] : vector<8x1024xi32> to vector<8xi32>
    %broadcast_in_dim3A_651 = vector.shape_cast %reduce_sum3A_650 : vector<8xi32> to vector<8x1xi32>
    %ge3A_652 = arith.constant 716 : i32
    %ge3A_653 = vector.broadcast %ge3A_652 : i32 to vector<8x1xi32>
    %ge3A_654 = arith.cmpi sge, %broadcast_in_dim3A_651, %ge3A_653 : vector<8x1xi32>
    %select_n3A_655 = arith.select %ge3A_654, %or3A_642, %select_n3A_639 : vector<8x1xi1>, vector<8x1xi32>
    %or3A_656 = arith.constant 128 : i32
    %or3A_657 = vector.broadcast %or3A_656 : i32 to vector<8x1xi32>
    %or3A_658 = arith.ori %select_n3A_655, %or3A_657 : vector<8x1xi32>
    %xor3A_659 = arith.constant -2147483648 : i32
    %xor3A_660 = vector.broadcast %xor3A_659 : i32 to vector<8x1xi32>
    %xor3A_661 = arith.xori %or3A_658, %xor3A_660 : vector<8x1xi32>
    %ge3A_662 = vector.broadcast %xor3A_661 : vector<8x1xi32> to vector<8x1024xi32>
    %ge3A_663 = arith.cmpi sge, %select_n3A, %ge3A_662 : vector<8x1024xi32>
    %convert_element_type3A_664 = arith.extui %ge3A_663 : vector<8x1024xi1> to vector<8x1024xi32>
    %reduce_sum3A_665 = arith.constant dense<0> : vector<8xi32>
    %reduce_sum3A_666 = vector.multi_reduction <add>, %convert_element_type3A_664, %reduce_sum3A_665 [1] : vector<8x1024xi32> to vector<8xi32>
    %broadcast_in_dim3A_667 = vector.shape_cast %reduce_sum3A_666 : vector<8xi32> to vector<8x1xi32>
    %ge3A_668 = arith.constant 716 : i32
    %ge3A_669 = vector.broadcast %ge3A_668 : i32 to vector<8x1xi32>
    %ge3A_670 = arith.cmpi sge, %broadcast_in_dim3A_667, %ge3A_669 : vector<8x1xi32>
    %select_n3A_671 = arith.select %ge3A_670, %or3A_658, %select_n3A_655 : vector<8x1xi1>, vector<8x1xi32>
    %or3A_672 = arith.constant 64 : i32
    %or3A_673 = vector.broadcast %or3A_672 : i32 to vector<8x1xi32>
    %or3A_674 = arith.ori %select_n3A_671, %or3A_673 : vector<8x1xi32>
    %xor3A_675 = arith.constant -2147483648 : i32
    %xor3A_676 = vector.broadcast %xor3A_675 : i32 to vector<8x1xi32>
    %xor3A_677 = arith.xori %or3A_674, %xor3A_676 : vector<8x1xi32>
    %ge3A_678 = vector.broadcast %xor3A_677 : vector<8x1xi32> to vector<8x1024xi32>
    %ge3A_679 = arith.cmpi sge, %select_n3A, %ge3A_678 : vector<8x1024xi32>
    %convert_element_type3A_680 = arith.extui %ge3A_679 : vector<8x1024xi1> to vector<8x1024xi32>
    %reduce_sum3A_681 = arith.constant dense<0> : vector<8xi32>
    %reduce_sum3A_682 = vector.multi_reduction <add>, %convert_element_type3A_680, %reduce_sum3A_681 [1] : vector<8x1024xi32> to vector<8xi32>
    %broadcast_in_dim3A_683 = vector.shape_cast %reduce_sum3A_682 : vector<8xi32> to vector<8x1xi32>
    %ge3A_684 = arith.constant 716 : i32
    %ge3A_685 = vector.broadcast %ge3A_684 : i32 to vector<8x1xi32>
    %ge3A_686 = arith.cmpi sge, %broadcast_in_dim3A_683, %ge3A_685 : vector<8x1xi32>
    %select_n3A_687 = arith.select %ge3A_686, %or3A_674, %select_n3A_671 : vector<8x1xi1>, vector<8x1xi32>
    %or3A_688 = arith.constant 32 : i32
    %or3A_689 = vector.broadcast %or3A_688 : i32 to vector<8x1xi32>
    %or3A_690 = arith.ori %select_n3A_687, %or3A_689 : vector<8x1xi32>
    %xor3A_691 = arith.constant -2147483648 : i32
    %xor3A_692 = vector.broadcast %xor3A_691 : i32 to vector<8x1xi32>
    %xor3A_693 = arith.xori %or3A_690, %xor3A_692 : vector<8x1xi32>
    %ge3A_694 = vector.broadcast %xor3A_693 : vector<8x1xi32> to vector<8x1024xi32>
    %ge3A_695 = arith.cmpi sge, %select_n3A, %ge3A_694 : vector<8x1024xi32>
    %convert_element_type3A_696 = arith.extui %ge3A_695 : vector<8x1024xi1> to vector<8x1024xi32>
    %reduce_sum3A_697 = arith.constant dense<0> : vector<8xi32>
    %reduce_sum3A_698 = vector.multi_reduction <add>, %convert_element_type3A_696, %reduce_sum3A_697 [1] : vector<8x1024xi32> to vector<8xi32>
    %broadcast_in_dim3A_699 = vector.shape_cast %reduce_sum3A_698 : vector<8xi32> to vector<8x1xi32>
    %ge3A_700 = arith.constant 716 : i32
    %ge3A_701 = vector.broadcast %ge3A_700 : i32 to vector<8x1xi32>
    %ge3A_702 = arith.cmpi sge, %broadcast_in_dim3A_699, %ge3A_701 : vector<8x1xi32>
    %select_n3A_703 = arith.select %ge3A_702, %or3A_690, %select_n3A_687 : vector<8x1xi1>, vector<8x1xi32>
    %or3A_704 = arith.constant 16 : i32
    %or3A_705 = vector.broadcast %or3A_704 : i32 to vector<8x1xi32>
    %or3A_706 = arith.ori %select_n3A_703, %or3A_705 : vector<8x1xi32>
    %xor3A_707 = arith.constant -2147483648 : i32
    %xor3A_708 = vector.broadcast %xor3A_707 : i32 to vector<8x1xi32>
    %xor3A_709 = arith.xori %or3A_706, %xor3A_708 : vector<8x1xi32>
    %ge3A_710 = vector.broadcast %xor3A_709 : vector<8x1xi32> to vector<8x1024xi32>
    %ge3A_711 = arith.cmpi sge, %select_n3A, %ge3A_710 : vector<8x1024xi32>
    %convert_element_type3A_712 = arith.extui %ge3A_711 : vector<8x1024xi1> to vector<8x1024xi32>
    %reduce_sum3A_713 = arith.constant dense<0> : vector<8xi32>
    %reduce_sum3A_714 = vector.multi_reduction <add>, %convert_element_type3A_712, %reduce_sum3A_713 [1] : vector<8x1024xi32> to vector<8xi32>
    %broadcast_in_dim3A_715 = vector.shape_cast %reduce_sum3A_714 : vector<8xi32> to vector<8x1xi32>
    %ge3A_716 = arith.constant 716 : i32
    %ge3A_717 = vector.broadcast %ge3A_716 : i32 to vector<8x1xi32>
    %ge3A_718 = arith.cmpi sge, %broadcast_in_dim3A_715, %ge3A_717 : vector<8x1xi32>
    %select_n3A_719 = arith.select %ge3A_718, %or3A_706, %select_n3A_703 : vector<8x1xi1>, vector<8x1xi32>
    %or3A_720 = arith.constant 8 : i32
    %or3A_721 = vector.broadcast %or3A_720 : i32 to vector<8x1xi32>
    %or3A_722 = arith.ori %select_n3A_719, %or3A_721 : vector<8x1xi32>
    %xor3A_723 = arith.constant -2147483648 : i32
    %xor3A_724 = vector.broadcast %xor3A_723 : i32 to vector<8x1xi32>
    %xor3A_725 = arith.xori %or3A_722, %xor3A_724 : vector<8x1xi32>
    %ge3A_726 = vector.broadcast %xor3A_725 : vector<8x1xi32> to vector<8x1024xi32>
    %ge3A_727 = arith.cmpi sge, %select_n3A, %ge3A_726 : vector<8x1024xi32>
    %convert_element_type3A_728 = arith.extui %ge3A_727 : vector<8x1024xi1> to vector<8x1024xi32>
    %reduce_sum3A_729 = arith.constant dense<0> : vector<8xi32>
    %reduce_sum3A_730 = vector.multi_reduction <add>, %convert_element_type3A_728, %reduce_sum3A_729 [1] : vector<8x1024xi32> to vector<8xi32>
    %broadcast_in_dim3A_731 = vector.shape_cast %reduce_sum3A_730 : vector<8xi32> to vector<8x1xi32>
    %ge3A_732 = arith.constant 716 : i32
    %ge3A_733 = vector.broadcast %ge3A_732 : i32 to vector<8x1xi32>
    %ge3A_734 = arith.cmpi sge, %broadcast_in_dim3A_731, %ge3A_733 : vector<8x1xi32>
    %select_n3A_735 = arith.select %ge3A_734, %or3A_722, %select_n3A_719 : vector<8x1xi1>, vector<8x1xi32>
    %or3A_736 = arith.constant 4 : i32
    %or3A_737 = vector.broadcast %or3A_736 : i32 to vector<8x1xi32>
    %or3A_738 = arith.ori %select_n3A_735, %or3A_737 : vector<8x1xi32>
    %xor3A_739 = arith.constant -2147483648 : i32
    %xor3A_740 = vector.broadcast %xor3A_739 : i32 to vector<8x1xi32>
    %xor3A_741 = arith.xori %or3A_738, %xor3A_740 : vector<8x1xi32>
    %ge3A_742 = vector.broadcast %xor3A_741 : vector<8x1xi32> to vector<8x1024xi32>
    %ge3A_743 = arith.cmpi sge, %select_n3A, %ge3A_742 : vector<8x1024xi32>
    %convert_element_type3A_744 = arith.extui %ge3A_743 : vector<8x1024xi1> to vector<8x1024xi32>
    %reduce_sum3A_745 = arith.constant dense<0> : vector<8xi32>
    %reduce_sum3A_746 = vector.multi_reduction <add>, %convert_element_type3A_744, %reduce_sum3A_745 [1] : vector<8x1024xi32> to vector<8xi32>
    %broadcast_in_dim3A_747 = vector.shape_cast %reduce_sum3A_746 : vector<8xi32> to vector<8x1xi32>
    %ge3A_748 = arith.constant 716 : i32
    %ge3A_749 = vector.broadcast %ge3A_748 : i32 to vector<8x1xi32>
    %ge3A_750 = arith.cmpi sge, %broadcast_in_dim3A_747, %ge3A_749 : vector<8x1xi32>
    %select_n3A_751 = arith.select %ge3A_750, %or3A_738, %select_n3A_735 : vector<8x1xi1>, vector<8x1xi32>
    %or3A_752 = arith.constant 2 : i32
    %or3A_753 = vector.broadcast %or3A_752 : i32 to vector<8x1xi32>
    %or3A_754 = arith.ori %select_n3A_751, %or3A_753 : vector<8x1xi32>
    %xor3A_755 = arith.constant -2147483648 : i32
    %xor3A_756 = vector.broadcast %xor3A_755 : i32 to vector<8x1xi32>
    %xor3A_757 = arith.xori %or3A_754, %xor3A_756 : vector<8x1xi32>
    %ge3A_758 = vector.broadcast %xor3A_757 : vector<8x1xi32> to vector<8x1024xi32>
    %ge3A_759 = arith.cmpi sge, %select_n3A, %ge3A_758 : vector<8x1024xi32>
    %convert_element_type3A_760 = arith.extui %ge3A_759 : vector<8x1024xi1> to vector<8x1024xi32>
    %reduce_sum3A_761 = arith.constant dense<0> : vector<8xi32>
    %reduce_sum3A_762 = vector.multi_reduction <add>, %convert_element_type3A_760, %reduce_sum3A_761 [1] : vector<8x1024xi32> to vector<8xi32>
    %broadcast_in_dim3A_763 = vector.shape_cast %reduce_sum3A_762 : vector<8xi32> to vector<8x1xi32>
    %ge3A_764 = arith.constant 716 : i32
    %ge3A_765 = vector.broadcast %ge3A_764 : i32 to vector<8x1xi32>
    %ge3A_766 = arith.cmpi sge, %broadcast_in_dim3A_763, %ge3A_765 : vector<8x1xi32>
    %select_n3A_767 = arith.select %ge3A_766, %or3A_754, %select_n3A_751 : vector<8x1xi1>, vector<8x1xi32>
    %or3A_768 = arith.constant 1 : i32
    %or3A_769 = vector.broadcast %or3A_768 : i32 to vector<8x1xi32>
    %or3A_770 = arith.ori %select_n3A_767, %or3A_769 : vector<8x1xi32>
    %xor3A_771 = arith.constant -2147483648 : i32
    %xor3A_772 = vector.broadcast %xor3A_771 : i32 to vector<8x1xi32>
    %xor3A_773 = arith.xori %or3A_770, %xor3A_772 : vector<8x1xi32>
    %ge3A_774 = vector.broadcast %xor3A_773 : vector<8x1xi32> to vector<8x1024xi32>
    %ge3A_775 = arith.cmpi sge, %select_n3A, %ge3A_774 : vector<8x1024xi32>
    %convert_element_type3A_776 = arith.extui %ge3A_775 : vector<8x1024xi1> to vector<8x1024xi32>
    %reduce_sum3A_777 = arith.constant dense<0> : vector<8xi32>
    %reduce_sum3A_778 = vector.multi_reduction <add>, %convert_element_type3A_776, %reduce_sum3A_777 [1] : vector<8x1024xi32> to vector<8xi32>
    %broadcast_in_dim3A_779 = vector.shape_cast %reduce_sum3A_778 : vector<8xi32> to vector<8x1xi32>
    %ge3A_780 = arith.constant 716 : i32
    %ge3A_781 = vector.broadcast %ge3A_780 : i32 to vector<8x1xi32>
    %ge3A_782 = arith.cmpi sge, %broadcast_in_dim3A_779, %ge3A_781 : vector<8x1xi32>
    %select_n3A_783 = arith.select %ge3A_782, %or3A_770, %select_n3A_767 : vector<8x1xi1>, vector<8x1xi32>
    %xor3A_784 = arith.constant -2147483648 : i32
    %xor3A_785 = vector.broadcast %xor3A_784 : i32 to vector<8x1xi32>
    %xor3A_786 = arith.xori %select_n3A_783, %xor3A_785 : vector<8x1xi32>
    %gt3A = vector.broadcast %xor3A_786 : vector<8x1xi32> to vector<8x1024xi32>
    %gt3A_787 = arith.cmpi sgt, %select_n3A, %gt3A : vector<8x1024xi32>
    %eq3A_788 = vector.broadcast %xor3A_786 : vector<8x1xi32> to vector<8x1024xi32>
    %eq3A_789 = arith.cmpi eq, %select_n3A, %eq3A_788 : vector<8x1024xi32>
    %convert_element_type3A_790 = arith.extui %gt3A_787 : vector<8x1024xi1> to vector<8x1024xi32>
    %reduce_sum3A_791 = arith.constant dense<0> : vector<8xi32>
    %reduce_sum3A_792 = vector.multi_reduction <add>, %convert_element_type3A_790, %reduce_sum3A_791 [1] : vector<8x1024xi32> to vector<8xi32>
    %broadcast_in_dim3A_793 = vector.shape_cast %reduce_sum3A_792 : vector<8xi32> to vector<8x1xi32>
    %sub3A = arith.constant 716 : i32
    %sub3A_794 = vector.broadcast %sub3A : i32 to vector<8x1xi32>
    %sub3A_795 = arith.subi %sub3A_794, %broadcast_in_dim3A_793 : vector<8x1xi32>
    %convert_element_type3A_796 = arith.sitofp %sub3A_795 : vector<8x1xi32> to vector<8x1xf32>
    %convert_element_type3A_797 = arith.extui %eq3A_789 : vector<8x1024xi1> to vector<8x1024xi32>
    %convert_element_type3A_798 = arith.sitofp %convert_element_type3A_797 : vector<8x1024xi32> to vector<8x1024xf32>
    %get3A_799 = arith.constant 0 : index
    %get3A_800 = arith.constant 0 : index
    %get3A_801 = vector.load %arg7[%get3A_799, %get3A_800] : memref<1024x1024xf32, #tpu.memory_space<vmem>>, vector<1024x1024xf32>
    %dot_general3A_802 = arith.constant dense<0.000000e+00> : vector<8x1024xf32>
    %dot_general3A_803 = tpu.matmul %convert_element_type3A_798, %get3A_801, %dot_general3A_802 {dimension_numbers = #tpu.dot_dimension_numbers<[1], [0], [0], [1], [0, 0, 1, 1], [], []>, transpose_lhs_hint = false} : vector<8x1024xf32>, vector<1024x1024xf32>, vector<8x1024xf32> -> vector<8x1024xf32>
    %sub3A_804 = arith.subf %dot_general3A_803, %convert_element_type3A_798 : vector<8x1024xf32>
    %lt3A = vector.broadcast %convert_element_type3A_796 : vector<8x1xf32> to vector<8x1024xf32>
    %lt3A_805 = arith.cmpf olt, %sub3A_804, %lt3A : vector<8x1024xf32>
    %and3A = arith.andi %eq3A_789, %lt3A_805 : vector<8x1024xi1>
    %or3A_806 = arith.ori %gt3A_787, %and3A : vector<8x1024xi1>
    %convert_element_type3A_807 = arith.extui %or3A_806 : vector<8x1024xi1> to vector<8x1024xi32>
    %convert_element_type3A_808 = arith.sitofp %convert_element_type3A_807 : vector<8x1024xi32> to vector<8x1024xf32>
    %get3A_809 = arith.constant 0 : index
    %get3A_810 = arith.constant 0 : index
    %get3A_811 = vector.load %arg7[%get3A_809, %get3A_810] : memref<1024x1024xf32, #tpu.memory_space<vmem>>, vector<1024x1024xf32>
    %dot_general3A_812 = arith.constant dense<0.000000e+00> : vector<8x1024xf32>
    %dot_general3A_813 = tpu.matmul %convert_element_type3A_808, %get3A_811, %dot_general3A_812 {dimension_numbers = #tpu.dot_dimension_numbers<[1], [0], [0], [1], [0, 0, 1, 1], [], []>, transpose_lhs_hint = false} : vector<8x1024xf32>, vector<1024x1024xf32>, vector<8x1024xf32> -> vector<8x1024xf32>
    %convert_element_type3A_814 = arith.fptosi %dot_general3A_813 : vector<8x1024xf32> to vector<8x1024xi32>
    %sub3A_815 = arith.constant 1 : i32
    %sub3A_816 = vector.broadcast %sub3A_815 : i32 to vector<8x1024xi32>
    %sub3A_817 = arith.subi %convert_element_type3A_814, %sub3A_816 : vector<8x1024xi32>
    %jit3A = arith.constant -1 : i32
    %broadcast_in_dim3A_818 = vector.broadcast %jit3A : i32 to vector<8x1024xi32>
    %select_n3A_819 = arith.select %or3A_806, %sub3A_817, %broadcast_in_dim3A_818 : vector<8x1024xi1>, vector<8x1024xi32>
    %swap3A_820 = arith.constant 0 : index
    %swap3A_821 = arith.constant 0 : index
    %swap3A_822 = vector.load %arg6[%swap3A_820, %swap3A_821] : memref<8x1024xi32, #tpu.memory_space<vmem>>, vector<8x1024xi32>
    tpu.vector_store %arg6[%swap3A_820, %swap3A_821], %select_n3A_819 {strides = array<i32>} : memref<8x1024xi32, #tpu.memory_space<vmem>>, vector<8x1024xi32>,
    return
  }
  func.func @transform_0(%arg0: i32) -> (i32, i32, i32) {
    %c0_i32 = arith.constant 0 : i32
    %c0_i32_0 = arith.constant 0 : i32
    %c0_i32_1 = arith.constant 0 : i32
    return %arg0, %c0_i32, %c0_i32_0 : i32, i32, i32
  }
  func.func @transform_1(%arg0: i32) -> (i32, i32) {
    %c0_i32 = arith.constant 0 : i32
    %c0_i32_0 = arith.constant 0 : i32
    %c0_i32_1 = arith.constant 0 : i32
    return %c0_i32, %c0_i32_0 : i32, i32
  }
  func.func @transform_2(%arg0: i32) -> (i32, i32) {
    %c0_i32 = arith.constant 0 : i32
    %c0_i32_0 = arith.constant 0 : i32
    %c0_i32_1 = arith.constant 0 : i32
    return %c0_i32, %c0_i32_0 : i32, i32
  }
  func.func @transform_3(%arg0: i32) -> (i32, i32) {
    %c0_i32 = arith.constant 0 : i32
    %c0_i32_0 = arith.constant 0 : i32
    %c0_i32_1 = arith.constant 0 : i32
    return %c0_i32, %c0_i32_0 : i32, i32
  }
  func.func @transform_4(%arg0: i32) -> (i32, i32) {
    %c0_i32 = arith.constant 0 : i32
    %c0_i32_0 = arith.constant 0 : i32
    %c0_i32_1 = arith.constant 0 : i32
    return %c0_i32, %c0_i32_0 : i32, i32
  }
  func.func @transform_5(%arg0: i32) -> (i32, i32) {
    %c0_i32 = arith.constant 0 : i32
    %c0_i32_0 = arith.constant 0 : i32
    return %arg0, %c0_i32 : i32, i32
  }
}

</mosaic_0001>

<sc_bundles>
// kernel: kernel.4.cloned.1.call-start
scs
__scs_entry_jumppad:
0x0: {  	(pc) =	sbr.rel $0x88, $3  }
0x1: {  	(tag) =	ssettag $0x0;
	lr =	simm.s32 $0x1  }
0x2: {  	[smem:$0x3F9C] =	sst lr;
	_ =	strace $0xD0000000  }
0x3: {  	_ = 	snop  }
0x4: {  	_ = 	snop  }
0x5: {  	_ = 	snop  }
0x6: {  	_ = 	snop  }
0x7: {  	_ = 	snop  }
__scs_overlays_trampoline_lowered:
0x8: {  	[smem:$0x3FAB] =	sst s0  }
0x9: {  	[smem:$0x3FAC] =	sst s1  }
0xa: {  	[smem:$0x3FAD] =	sst s2  }
0xb: {  	[smem:$0x3FAE] =	sst s3  }
0xc: {  	[smem:$0x3FAF] =	sst s4  }
0xd: {  	[smem:$0x3FB0] =	sst s5  }
0xe: {  	[smem:$0x3FB1] =	sst s6  }
0xf: {  	[smem:$0x3FB2] =	sst s7  }
0x10: {  	[smem:$0x3FB3] =	sst s8  }
0x11: {  	[smem:$0x3FB4] =	sst s9;
	s0 =	simm.s32 @!p0 $0x0  }
0x12: {  	s1 =	sld [smem:$0x3F9A];
	s0 =	simm.s32 @p0 $0x1  }
0x13: {  	[smem:$0x3FB5] =	sst s0;
	s0 =	simm.s32 @!p1 $0x0  }
0x14: {  	s2 =	sld [smem:$0x3F99];
	s0 =	simm.s32 @p1 $0x1  }
0x15: {  	[smem:$0x3FB6] =	sst s0;
	s0 =	simm.s32 @!p2 $0x0  }
0x16: {  	s3 =	sld [smem:$0x3FDB];
	s0 =	simm.s32 @p2 $0x1  }
0x17: {  	s4 =	simm.s32 $0x1BF5;
	[smem:$0x3FB8] =	sst s0  }
0x18: {  	s0 =	sld [smem:$0x3F9B];
	_ =	swait.ge [sflag:s4], $0x0  }
0x19: {  	s7 =	sld [smem:$0x3F9C]  }
0x1a: {  	s8 =	sadd.s32 $0xFFFFE003, lr  }
0x1b: {  	s9 =	sadd.s32 $0xFFFFFEF7, lr;
	s5 =	simm.s32 $0xFFFFFFFF;
	p2 =	slt.u32 s8, $0xFFFFF086  }
0x1c: {  	p1 =	slt.u32 s9, $0xF7A;
	s5 =	simm.s32 @!p2 $0x0  }
0x1d: {  	s5 =	simm.s32 @p1 $0x1;
	p0 =	seq.s32 s7, s2  }
0x1e: {  	s7 =	smul.u32 @!p0 $0xF7A, s2;
	p2 =	seq.s32 @!p0 s5, $0x0  }
0x1f: {  	s9 =	smul.u32 $0xF7A, s1;
	s8 =	simm.s32 @!p0 $0x1BF5;
	p2 =	por !p2, p0  }
0x20: {  	[sflag:s8] =	ssyncset.s32 @!p0 $0xFFFFF086;
	s6 =	sadd.s32 @!p0 s3, s7;
	s7 =	simm.s32 @!p0 $0x108  }
0x21: {  	s3 =	sadd.s32 s3, s9;
	s6 =	sadd.s32 @!p0 $0x88, s6;
	s7 =	simm.s32 @p2 $0x1082  }
0x22: {  	[simem:s7], [sflag:s8] =	dma.local @!p0 [hbm:s6], $0xF7A  }
0x23: {  	s9 =	sor.u32 $0xD0000000, s2;
	s6 =	simm.s32 $0x108;
	_ =	swait.ge @!p0 [sflag:s8], $0x0  }
0x24: {  	s3 =	sadd.s32 $0x88, s3;
	s6 =	simm.s32 @!p1 $0x1082;
	[sflag:s4] =	ssyncset.s32 $0xFFFFF086  }
0x25: {  	[simem:s6], [sflag:s4] =	dma.local [hbm:s3], $0xF7A  }
0x26: {  	[smem:$0x3F9C] =	sst s1;
	(tag) =	ssettag s2;
	_ =	strace s9  }
0x27: {  	s1 =	sld [smem:$0x3FAC]  }
0x28: {  	s2 =	sld [smem:$0x3FAD]  }
0x29: {  	s4 =	sld [smem:$0x3FAF]  }
0x2a: {  	p0 =	seq.s32 s5, $0x0;
	s5 =	sld [smem:$0x3FB0]  }
0x2b: {  	s6 =	sld [smem:$0x3FB1]  }
0x2c: {  	s7 =	sld [smem:$0x3FB2]  }
0x2d: {  	s3 =	simm.s32 $0x108;
	s8 =	sld [smem:$0x3FB3]  }
0x2e: {  	s3 =	simm.s32 @!p0 $0x1082;
	s9 =	sld [smem:$0x3FB4]  }
0x2f: {  	lr =	sadd.s32 s0, s3;
	s0 =	sld [smem:$0x3FAB]  }
0x30: {  	s3 =	sld [smem:$0x3FAE]  }
0x31: {  	[smem:$0x3FB7] =	sst s10  }
0x32: {  	s10 =	sld [smem:$0x3FB5];
	_ =	sdelay $0x3  }
0x33: {  	p0 =	seq.s32 s10, $0x1;
	s10 =	sld [smem:$0x3FB7];
	_ =	sdelay $0x3  }
0x34: {  	[smem:$0x3FB7] =	sst s10  }
0x35: {  	s10 =	sld [smem:$0x3FB6];
	_ =	sdelay $0x3  }
0x36: {  	p1 =	seq.s32 s10, $0x1;
	s10 =	sld [smem:$0x3FB7];
	_ =	sdelay $0x3  }
0x37: {  	[smem:$0x3FB7] =	sst s10  }
0x38: {  	s10 =	sld [smem:$0x3FB8]  }
0x39: {  	_ = 	snop;
	(pc) =	sbr.ind lr, $3  }
0x3a: {  	_ = 	snop  }
0x3b: {  	_ = 	snop  }
0x3c: {  	p2 =	seq.s32 s10, $0x1;
	s10 =	sld [smem:$0x3FB7]  }
0x3d: {  	_ =	shalt  }
0x3e: {  	_ =	shalt  }
0x3f: {  	_ =	shalt  }
0x40: {  	_ =	shalt  }
0x41: {  	_ =	shalt  }
0x42: {  	_ =	shalt  }
0x43: {  	_ =	shalt  }
0x44: {  	_ =	shalt  }
0x45: {  	_ =	shalt  }
0x46: {  	_ =	shalt  }
0x47: {  	_ =	shalt  }
0x48: {  	_ =	shalt  }
0x49: {  	_ =	shalt  }
0x4a: {  	_ =	shalt  }
0x4b: {  	_ =	shalt  }
0x4c: {  	_ =	shalt  }
0x4d: {  	_ =	shalt  }
0x4e: {  	_ =	shalt  }
0x4f: {  	_ =	shalt  }
0x50: {  	_ =	shalt  }
0x51: {  	_ =	shalt  }
0x52: {  	_ =	shalt  }
0x53: {  	_ =	shalt  }
0x54: {  	_ =	shalt  }
0x55: {  	_ =	shalt  }
0x56: {  	_ =	shalt  }
0x57: {  	_ =	shalt  }
0x58: {  	_ =	shalt  }
0x59: {  	_ =	shalt  }
0x5a: {  	_ =	shalt  }
0x5b: {  	_ =	shalt  }
0x5c: {  	_ =	shalt  }
0x5d: {  	_ =	shalt  }
0x5e: {  	_ =	shalt  }
0x5f: {  	_ =	shalt  }
0x60: {  	_ =	shalt  }
0x61: {  	_ =	shalt  }
0x62: {  	_ =	shalt  }
0x63: {  	_ =	shalt  }
0x64: {  	_ =	shalt  }
0x65: {  	_ =	shalt  }
0x66: {  	_ =	shalt  }
0x67: {  	_ =	shalt  }
0x68: {  	_ =	shalt  }
0x69: {  	_ =	shalt  }
0x6a: {  	_ =	shalt  }
0x6b: {  	_ =	shalt  }
0x6c: {  	_ =	shalt  }
0x6d: {  	_ =	shalt  }
0x6e: {  	_ =	shalt  }
0x6f: {  	_ =	shalt  }
0x70: {  	_ =	shalt  }
0x71: {  	_ =	shalt  }
0x72: {  	_ =	shalt  }
0x73: {  	_ =	shalt  }
0x74: {  	_ =	shalt  }
0x75: {  	_ =	shalt  }
0x76: {  	_ =	shalt  }
0x77: {  	_ =	shalt  }
0x78: {  	_ =	shalt  }
0x79: {  	_ =	shalt  }
0x7a: {  	_ =	shalt  }
0x7b: {  	_ =	shalt  }
0x7c: {  	_ =	shalt  }
0x7d: {  	_ =	shalt  }
0x7e: {  	_ =	shalt  }
0x7f: {  	_ =	shalt  }
0x80: {  	_ =	shalt  }
0x81: {  	_ =	shalt  }
0x82: {  	_ =	shalt  }
0x83: {  	_ =	shalt  }
0x84: {  	_ =	shalt  }
0x85: {  	_ =	shalt  }
0x86: {  	_ =	shalt  }
0x87: {  	_ =	shalt  }
.Lfunc_end0:
.L_simem_size_0:
called_computation.1_lowered:
.L_overlay_start_0:
0x88: {  	s2 =	sld [smem:$0x3FD9]  }
0x89: {  	s3 =	sld [smem:$0x3FFE];
	_ =	sdelay $0x1  }
0x8a: {  	s1 =	srdreg.scid  }
0x8b: {  	s0 =	sand.u32 $0x1, s1  }
0x8c: {  	s17 =	sshll.u32 s0, $0xA;
	s2 =	sadd.s32 s3, s2  }
0x8d: {  	s2 =	sadd.s32 s2, s17  }
0x8e: {  	[smem:$0x3FC3] =	sst s2  }
0x8f: {  	_ = 	snop  }
0x90: {  	s2 =	sld [smem:$0x3FC9]  }
0x91: {  	s18 =	sld [smem:$0x3FD0];
	(tm) =	ssettm $0x1  }
0x92: {  	s4 =	sld [smem:$0x3FFB];
	_ =	sdelay $0x3  }
0x93: {  	_ =	strace s4  }
0x94: {  	s4 =	sld [smem:$0x3FFC];
	_ =	sdelay $0x3  }
0x95: {  	_ =	strace s4  }
0x96: {  	s4 =	sld [smem:$0x3FFD];
	_ =	sdelay $0x3  }
0x97: {  	_ =	strace s4  }
0x98: {  	_ =	strace $0x8FFFFFFF  }
0x99: {  	s19 =	sld [smem:$0x3FDB];
	_ =	sdelay $0x1  }
0x9a: {  	s5 =	simm.s32 $_scs_section_size  }
0x9b: {  	s6 =	simm.s32 $_size__tile_overlayer_lowered;
	s7 =	simm.s32 $_tile_overlayer_lowered  }
0x9c: {  	s22 =	simm.s32 $0x1BFF;
	s21 =	sshll.u32 s7, $0x1;
	s4 =	sadd.s32 s5, s19  }
0x9d: {  	s8 =	simm.s32 $0x0;
	s20 =	sshll.u32 s6, $0x1;
	s6 =	sadd.s32 s21, s4  }
0x9e: {  	[timem:s8], [sflag:s22] =	dma.local [hbm:s6], s20  }
0x9f: {  	_ =	swait.ge [sflag:s22], s20  }
0xa0: {  	s5 =	ssub.s32 $0x0, s20;
	[sflag:s22] =	ssyncset.done $0x0  }
0xa1: {  	[sflag:s22] =	ssyncadd.s32 s5;
	_ =	sdelay $0x1  }
0xa2: {  	s23 =	simm.s32 $0x1B8B  }
0xa3: {  	_ =	swait.ge [sflag:s23], $0x1  }
0xa4: {  	[sflag:s23] =	ssyncset.done $0x0  }
0xa5: {  	s25 =	simm.s32 $0x1B8E;
	s24 =	sld [smem:$0x3FFE];
	[sflag:s23] =	ssyncadd.s32 $0xFFFFFFFF  }
0xa6: {  	s26 =	simm.s32 $execute0_lowered;
	[smem:$0x3FD2] =	sst s25  }
0xa7: {  	s6 =	sshll.u32 s26, $0x1;
	_ =	strace $0x80000046;
	[dreg:$0x1] =	wrdreg $0xFFFFFFFF  }
0xa8: {  	s28 =	simm.s32 $_size_execute0_lowered;
	s4 =	sadd.s32 s4, s6;
	[dreg:$0x0] =	wrdreg $0x0  }
0xa9: {  	s6 =	sshll.u32 s28, $0x1;
	[dreg:$0x2] =	wrdreg s4  }
0xaa: {  	[dreg:$0x3] =	wrdreg s6  }
0xab: {  	[dreg:$0x4] =	wrdreg $0xC0  }
0xac: {  	_ =	task [dreg:s8], $0x5FFFF  }
0xad: {  	[dreg:$0x1] =	wrdreg $0xFFFFFFFF  }
0xae: {  	[dreg:$0x0] =	wrdreg $0x60  }
0xaf: {  	[dreg:$0x2] =	wrdreg s2  }
0xb0: {  	[dreg:$0x3] =	wrdreg s18  }
0xb1: {  	[dreg:$0x4] =	wrdreg s24  }
0xb2: {  	[dreg:$0x5] =	wrdreg $0x9  }
0xb3: {  	_ =	task.clear_ibuf [dreg:s8], $0x6FFFF;
	_ =	strace $0x90000046  }
0xb4: {  	s29 =	simm.s32 $0x9;
	_ =	strace $0x80000048  }
0xb5: {  	_ =	swait.ge [sflag:s29], $0x1  }
0xb6: {  	[sflag:s29] =	ssyncadd.s32 $0xFFFFFFFF  }
0xb7: {  	_ =	strace $0x90000048  }
0xb8: {  	_ =	sfence  }
0xb9: {  	s30 =	sld [smem:$0x0];
	_ =	sdelay $0x2  }
0xba: {  	s31 =	sshll.u32 s1, $0xD;
	s1 =	sshrl.u32 s1, $0x2  }
0xbb: {  	s3 =	sand.u32 $0x4000, s31;
	s1 =	sadd.s32 s1, s30  }
0xbc: {  	s0 =	sor.u32 s3, s0;
	s1 =	sshll.u32 s1, $0x11  }
0xbd: {  	s0 =	sor.u32 s1, s0  }
0xbe: {  	s0 =	sadd.s32 $0x8F2B, s0  }
0xbf: {  	[sflag:s0] =	ssyncadd.remote.s32 $0x1  }
0xc0: {  	_ =	sfence.sel $0xFFFF  }
0xc1: {  	[dreg:$0x0] =	wrdreg $0xFFFFFFFF;
	(pc) =	sbr.abs _section_cstart, $3  }
0xc2: {  	[dreg:$0x1] =	wrdreg $0xFFFFFFFF  }
0xc3: {  	_ =	task.clear_ibuf [dreg:s8], $0x2FFFF;
	_ =	strace $0x9FFFFFFF  }
0xc4: {  	(tm) =	ssettm $0x7FFFFFFF  }
0xc5: {  	_ =	shalt  }
tec
execute0_lowered:
.L_overlay_start_1:
0x0: {  	(tag) =	ssettag $0x1  }
0x1: {  	s1 =	rddreg [dreg:$0x0]  }
0x2: {  	s6 =	rddreg [dreg:$0x1]  }
0x3: {  	s5 =	rddreg [dreg:$0x2]  }
0x4: {  	s0 =	rddreg [dreg:$0x3];
	s3 =	simm.s32 $0x0;
	s4 =	srdreg.scid  }
0x5: {  	s2 =	stileid.u32;
	s10 =	simm.s32 $0x400;
	s11 =	simm.s32 $0x18400  }
0x6: {  	s12 =	simm.s32 $0x18700;
	s13 =	simm.s32 $0x1;
	s14 =	simm.s32 $0x0  }
0x7: {  	[smem:$0x7FF] =	sst s3;
	s4 =	sand.u32 $0x1, s4;
	s8 =	sshll.u32 s2, $0x4  }
0x8: {  	s5 =	sadd.s32 $0xE00, s5;
	s7 =	ssub.s32 $0x2, s4;
	s4 =	sshll.u32 s4, $0x3  }
0x9: {  	_ =	strace $0x80000047;
	s9 =	sshrl.u32 s7, $0x1;
	s4 =	sor.u32 s4, s8  }
0xa: {  	v0 =	vlaneseq.u32;
	s7 =	ssub.s32 s7, s9;
	s8 =	sshll.u32 s4, $0x7;
	s9 =	simm.s32 $0x80  }
0xb: {  	v1 =	vimm.s32 $0x0;
	v2 =	vmul.u32 $0x80, v0;
	s6 =	sadd.s32 s6, s8;
	s7 =	smax.u32 s7, $0x1;
	s8 =	simm.s32 $0x2  }
.LBB2_1:
0xc: {  	s15 =	simm.s32 $0x0  }
.LBB2_2:
0xd: {  	s16 =	sor.u32 s4, s15  }
0xe: {  	s17 =	smul.u32 $0x3000, s16;
	_ =	sdelay $0x1  }
0xf: {  	s18 =	sadd.s32 s1, s17;
	s17 =	simm.s32 $0x0  }
0x10: {  	[tilespmem:s17], [sflag:$0x2] =	stream.linear.gather [hbm4b:s18+s17], $0x18000, $0x38;
	[tilespmem:$0x1A700] =	vst v63  }
0x11: {  	_ =	swait.ge [sflag:s8], $0x18000  }
0x12: {  	s31 =	sshll.u32 s15, $0x4;
	[sflag:s8] =	ssyncset.done $0x0  }
0x13: {  	s19 =	sadd.s32 s31, s6;
	s18 =	simm.s32 $0x18000;
	[sflag:s8] =	ssyncadd.s32 $0xFFFE8000  }
0x14: {  	[tilespmem:s18], [sflag:$0x2] =	stream.strided.gather [hbm4b:s19+s9], $0x400, s10, s9, $0x38;
	[tilespmem:$0x1A700] =	vst v63  }
0x15: {  	_ =	swait.ge [sflag:s8], $0x400  }
0x16: {  	[sflag:s8] =	ssyncset.done $0x0  }
0x17: {  	[sflag:s8] =	ssyncadd.s32 $0xFFFFFC00  }
0x18: {  	[tilespmem:$0x186C0] =	vst v1  }
0x19: {  	[tilespmem:$0x186D0] =	vst v1  }
0x1a: {  	[tilespmem:$0x186E0] =	vst v1  }
0x1b: {  	[tilespmem:$0x186F0] =	vst v1  }
0x1c: {  	s19 =	simm.s32 $0x10;
	v3 =	vld [tilespmem:s18+$0x0]  }
.LBB2_3:
0x1d: {  	p0 =	seq.s32 s19, $0x3F0;
	_ =	sdelay $0x3  }
0x1e: {  	vm0 =	vlt.u32 v3, $0x300  }
0x1f: {  	v3 =	vnsel vm0, $0x0, v3;
	_ =	sdelay $0x1  }
.Ltmp0:
0x20: {  	(pc) =	sbr.rel @!p0 .LBB2_3-.Ltmp0, $4  }
0x21: {  	_ = 	snop  }
0x22: {  	v4 =	vor.u32 s17, v0;
	s17 =	smov.u32 s19  }
0x23: {  	s18 =	sadd.s32 $0x10, s18;
	[tilespmem:v3+s11+$0x0] =	vst.idx.msk vm0, v4  }
0x24: {  	s19 =	sadd.s32 $0x10, s19;
	v3 =	vld [tilespmem:s18+$0x0]  }
0x25: {  	_ =	sdelay $0x3  }
0x26: {  	vm0 =	vlt.u32 v3, $0x300  }
0x27: {  	v3 =	vnsel vm0, $0x0, v3;
	_ =	sdelay $0x3  }
0x28: {  	v4 =	vor.u32 s17, v0  }
0x29: {  	s16 =	smul.u32 $0x18000, s16;
	s17 =	simm.s32 $0x0;
	s18 =	simm.s32 $0x18400;
	[tilespmem:v3+s11+$0x0] =	vst.idx.msk vm0, v4  }
.LBB2_5:
0x2a: {  	s19 =	smov.u32 s18;
	s20 =	simm.s32 $0x0  }
.LBB2_6:
0x2b: {  	v3 =	vld [tilespmem:s19+$0x0];
	_ =	sdelay $0x4  }
0x2c: {  	v4 =	vshll.u32 v3, $0x3  }
0x2d: {  	v3 =	vand.u32 $0x7F, v3;
	v4 =	vand.u32 $0xFFFFFC00, v4  }
0x2e: {  	v3 =	vor.u32 v3, v4;
	_ =	sdelay $0x2  }
0x2f: {  	v42 =	vmov s20  }
0x30: {  	v4 =	vshll.u32 v42, $0x7  }
0x31: {  	v4 =	vor.u32 v2, v4;
	v5 =	vld.idx.msk [tilespmem:v3+s3+$0x0], $0xffff  }
0x32: {  	v6 =	vor.u32 $0x80, v3;
	_ =	sdelay $0x3  }
0x33: {  	[tilespmem:v4+s12+$0x0] =	vst.idx.msk $0xffff, v5  }
0x34: {  	v43 =	vor.u32 $0x1, v4;
	v5 =	vld.idx.msk [tilespmem:v6+s3+$0x0], $0xffff  }
0x35: {  	v7 =	vor.u32 $0x100, v3;
	_ =	sdelay $0x3  }
0x36: {  	[tilespmem:v43+s12+$0x0] =	vst.idx.msk $0xffff, v5  }
0x37: {  	v44 =	vor.u32 $0x2, v4;
	v5 =	vld.idx.msk [tilespmem:v7+s3+$0x0], $0xffff  }
0x38: {  	v45 =	vor.u32 $0x180, v3;
	_ =	sdelay $0x3  }
0x39: {  	[tilespmem:v44+s12+$0x0] =	vst.idx.msk $0xffff, v5  }
0x3a: {  	v46 =	vor.u32 $0x3, v4;
	v5 =	vld.idx.msk [tilespmem:v45+s3+$0x0], $0xffff  }
0x3b: {  	v47 =	vor.u32 $0x200, v3;
	_ =	sdelay $0x3  }
0x3c: {  	[tilespmem:v46+s12+$0x0] =	vst.idx.msk $0xffff, v5  }
0x3d: {  	v48 =	vor.u32 $0x4, v4;
	v5 =	vld.idx.msk [tilespmem:v47+s3+$0x0], $0xffff  }
0x3e: {  	v49 =	vor.u32 $0x280, v3;
	_ =	sdelay $0x3  }
0x3f: {  	[tilespmem:v48+s12+$0x0] =	vst.idx.msk $0xffff, v5  }
0x40: {  	v50 =	vor.u32 $0x5, v4;
	v5 =	vld.idx.msk [tilespmem:v49+s3+$0x0], $0xffff  }
0x41: {  	v51 =	vor.u32 $0x300, v3;
	_ =	sdelay $0x3  }
0x42: {  	[tilespmem:v50+s12+$0x0] =	vst.idx.msk $0xffff, v5  }
0x43: {  	v52 =	vor.u32 $0x6, v4;
	v5 =	vld.idx.msk [tilespmem:v51+s3+$0x0], $0xffff  }
0x44: {  	v53 =	vor.u32 $0x380, v3;
	_ =	sdelay $0x3  }
0x45: {  	[tilespmem:v52+s12+$0x0] =	vst.idx.msk $0xffff, v5  }
0x46: {  	v54 =	vor.u32 $0x7, v4;
	v5 =	vld.idx.msk [tilespmem:v53+s3+$0x0], $0xffff  }
0x47: {  	v55 =	vadd.s32 $0x2000, v3;
	_ =	sdelay $0x3  }
0x48: {  	[tilespmem:v54+s12+$0x0] =	vst.idx.msk $0xffff, v5  }
0x49: {  	v56 =	vor.u32 $0x8, v4;
	v5 =	vld.idx.msk [tilespmem:v55+s3+$0x0], $0xffff  }
0x4a: {  	v57 =	vadd.s32 $0x2080, v3;
	_ =	sdelay $0x3  }
0x4b: {  	[tilespmem:v56+s12+$0x0] =	vst.idx.msk $0xffff, v5  }
0x4c: {  	v58 =	vor.u32 $0x9, v4;
	v5 =	vld.idx.msk [tilespmem:v57+s3+$0x0], $0xffff  }
0x4d: {  	v59 =	vadd.s32 $0x2100, v3;
	_ =	sdelay $0x3  }
0x4e: {  	[tilespmem:v58+s12+$0x0] =	vst.idx.msk $0xffff, v5  }
0x4f: {  	v60 =	vor.u32 $0xA, v4;
	v5 =	vld.idx.msk [tilespmem:v59+s3+$0x0], $0xffff  }
0x50: {  	v61 =	vadd.s32 $0x2180, v3;
	_ =	sdelay $0x3  }
0x51: {  	[tilespmem:v60+s12+$0x0] =	vst.idx.msk $0xffff, v5  }
0x52: {  	v62 =	vor.u32 $0xB, v4;
	v5 =	vld.idx.msk [tilespmem:v61+s3+$0x0], $0xffff  }
0x53: {  	v63 =	vadd.s32 $0x2200, v3;
	_ =	sdelay $0x3  }
0x54: {  	[tilespmem:v62+s12+$0x0] =	vst.idx.msk $0xffff, v5  }
0x55: {  	v9 =	vor.u32 $0xC, v4;
	v5 =	vld.idx.msk [tilespmem:v63+s3+$0x0], $0xffff  }
0x56: {  	v10 =	vadd.s32 $0x2280, v3;
	_ =	sdelay $0x3  }
0x57: {  	[tilespmem:v9+s12+$0x0] =	vst.idx.msk $0xffff, v5  }
0x58: {  	v11 =	vor.u32 $0xD, v4;
	v5 =	vld.idx.msk [tilespmem:v10+s3+$0x0], $0xffff  }
0x59: {  	v12 =	vadd.s32 $0x2300, v3;
	_ =	sdelay $0x3  }
0x5a: {  	[tilespmem:v11+s12+$0x0] =	vst.idx.msk $0xffff, v5  }
0x5b: {  	v13 =	vor.u32 $0xE, v4;
	v5 =	vld.idx.msk [tilespmem:v12+s3+$0x0], $0xffff  }
0x5c: {  	v14 =	vadd.s32 $0x2380, v3;
	_ =	sdelay $0x3  }
0x5d: {  	[tilespmem:v13+s12+$0x0] =	vst.idx.msk $0xffff, v5  }
0x5e: {  	v15 =	vor.u32 $0xF, v4;
	v5 =	vld.idx.msk [tilespmem:v14+s3+$0x0], $0xffff  }
0x5f: {  	v16 =	vadd.s32 $0x4000, v3;
	_ =	sdelay $0x3  }
0x60: {  	[tilespmem:v15+s12+$0x0] =	vst.idx.msk $0xffff, v5  }
0x61: {  	v17 =	vor.u32 $0x10, v4;
	v5 =	vld.idx.msk [tilespmem:v16+s3+$0x0], $0xffff  }
0x62: {  	v18 =	vadd.s32 $0x4080, v3;
	_ =	sdelay $0x3  }
0x63: {  	[tilespmem:v17+s12+$0x0] =	vst.idx.msk $0xffff, v5  }
0x64: {  	v19 =	vor.u32 $0x11, v4;
	v5 =	vld.idx.msk [tilespmem:v18+s3+$0x0], $0xffff  }
0x65: {  	v20 =	vadd.s32 $0x4100, v3;
	_ =	sdelay $0x3  }
0x66: {  	[tilespmem:v19+s12+$0x0] =	vst.idx.msk $0xffff, v5  }
0x67: {  	v21 =	vor.u32 $0x12, v4;
	v5 =	vld.idx.msk [tilespmem:v20+s3+$0x0], $0xffff  }
0x68: {  	v22 =	vadd.s32 $0x4180, v3;
	_ =	sdelay $0x3  }
0x69: {  	[tilespmem:v21+s12+$0x0] =	vst.idx.msk $0xffff, v5  }
0x6a: {  	v23 =	vor.u32 $0x13, v4;
	v5 =	vld.idx.msk [tilespmem:v22+s3+$0x0], $0xffff  }
0x6b: {  	v24 =	vadd.s32 $0x4200, v3;
	_ =	sdelay $0x3  }
0x6c: {  	[tilespmem:v23+s12+$0x0] =	vst.idx.msk $0xffff, v5  }
0x6d: {  	v25 =	vor.u32 $0x14, v4;
	v5 =	vld.idx.msk [tilespmem:v24+s3+$0x0], $0xffff  }
0x6e: {  	v26 =	vadd.s32 $0x4280, v3;
	_ =	sdelay $0x3  }
0x6f: {  	[tilespmem:v25+s12+$0x0] =	vst.idx.msk $0xffff, v5  }
0x70: {  	v27 =	vor.u32 $0x15, v4;
	v5 =	vld.idx.msk [tilespmem:v26+s3+$0x0], $0xffff  }
0x71: {  	v28 =	vadd.s32 $0x4300, v3;
	_ =	sdelay $0x3  }
0x72: {  	[tilespmem:v27+s12+$0x0] =	vst.idx.msk $0xffff, v5  }
0x73: {  	v29 =	vor.u32 $0x16, v4;
	v5 =	vld.idx.msk [tilespmem:v28+s3+$0x0], $0xffff  }
0x74: {  	v30 =	vadd.s32 $0x4380, v3;
	_ =	sdelay $0x3  }
0x75: {  	[tilespmem:v29+s12+$0x0] =	vst.idx.msk $0xffff, v5  }
0x76: {  	v31 =	vor.u32 $0x17, v4;
	v5 =	vld.idx.msk [tilespmem:v30+s3+$0x0], $0xffff  }
0x77: {  	v32 =	vadd.s32 $0x6000, v3;
	_ =	sdelay $0x3  }
0x78: {  	[tilespmem:v31+s12+$0x0] =	vst.idx.msk $0xffff, v5  }
0x79: {  	v33 =	vor.u32 $0x18, v4;
	v5 =	vld.idx.msk [tilespmem:v32+s3+$0x0], $0xffff  }
0x7a: {  	v34 =	vadd.s32 $0x6080, v3;
	_ =	sdelay $0x3  }
0x7b: {  	[tilespmem:v33+s12+$0x0] =	vst.idx.msk $0xffff, v5  }
0x7c: {  	v35 =	vor.u32 $0x19, v4;
	v5 =	vld.idx.msk [tilespmem:v34+s3+$0x0], $0xffff  }
0x7d: {  	v36 =	vadd.s32 $0x6100, v3;
	_ =	sdelay $0x3  }
0x7e: {  	[tilespmem:v35+s12+$0x0] =	vst.idx.msk $0xffff, v5  }
0x7f: {  	v37 =	vor.u32 $0x1A, v4;
	v5 =	vld.idx.msk [tilespmem:v36+s3+$0x0], $0xffff  }
0x80: {  	v38 =	vadd.s32 $0x6180, v3;
	_ =	sdelay $0x3  }
0x81: {  	[tilespmem:v37+s12+$0x0] =	vst.idx.msk $0xffff, v5  }
0x82: {  	v39 =	vor.u32 $0x1B, v4;
	v5 =	vld.idx.msk [tilespmem:v38+s3+$0x0], $0xffff  }
0x83: {  	v40 =	vadd.s32 $0x6200, v3;
	_ =	sdelay $0x3  }
0x84: {  	[tilespmem:v39+s12+$0x0] =	vst.idx.msk $0xffff, v5  }
0x85: {  	v41 =	vor.u32 $0x1C, v4;
	v5 =	vld.idx.msk [tilespmem:v40+s3+$0x0], $0xffff  }
0x86: {  	v42 =	vadd.s32 $0x6280, v3;
	_ =	sdelay $0x3  }
0x87: {  	[tilespmem:v41+s12+$0x0] =	vst.idx.msk $0xffff, v5  }
0x88: {  	v43 =	vor.u32 $0x1D, v4;
	v5 =	vld.idx.msk [tilespmem:v42+s3+$0x0], $0xffff  }
0x89: {  	v44 =	vadd.s32 $0x6300, v3;
	_ =	sdelay $0x3  }
0x8a: {  	[tilespmem:v43+s12+$0x0] =	vst.idx.msk $0xffff, v5  }
0x8b: {  	v45 =	vor.u32 $0x1E, v4;
	v5 =	vld.idx.msk [tilespmem:v44+s3+$0x0], $0xffff  }
0x8c: {  	v46 =	vadd.s32 $0x6380, v3;
	_ =	sdelay $0x3  }
0x8d: {  	[tilespmem:v45+s12+$0x0] =	vst.idx.msk $0xffff, v5  }
0x8e: {  	v47 =	vor.u32 $0x1F, v4;
	v5 =	vld.idx.msk [tilespmem:v46+s3+$0x0], $0xffff  }
0x8f: {  	v48 =	vadd.s32 $0x8000, v3;
	_ =	sdelay $0x3  }
0x90: {  	[tilespmem:v47+s12+$0x0] =	vst.idx.msk $0xffff, v5  }
0x91: {  	v49 =	vor.u32 $0x20, v4;
	v5 =	vld.idx.msk [tilespmem:v48+s3+$0x0], $0xffff  }
0x92: {  	v50 =	vadd.s32 $0x8080, v3;
	_ =	sdelay $0x3  }
0x93: {  	[tilespmem:v49+s12+$0x0] =	vst.idx.msk $0xffff, v5  }
0x94: {  	v51 =	vor.u32 $0x21, v4;
	v5 =	vld.idx.msk [tilespmem:v50+s3+$0x0], $0xffff  }
0x95: {  	v52 =	vadd.s32 $0x8100, v3;
	_ =	sdelay $0x3  }
0x96: {  	[tilespmem:v51+s12+$0x0] =	vst.idx.msk $0xffff, v5  }
0x97: {  	v53 =	vor.u32 $0x22, v4;
	v5 =	vld.idx.msk [tilespmem:v52+s3+$0x0], $0xffff  }
0x98: {  	v54 =	vadd.s32 $0x8180, v3;
	_ =	sdelay $0x3  }
0x99: {  	[tilespmem:v53+s12+$0x0] =	vst.idx.msk $0xffff, v5  }
0x9a: {  	v55 =	vor.u32 $0x23, v4;
	v5 =	vld.idx.msk [tilespmem:v54+s3+$0x0], $0xffff  }
0x9b: {  	v56 =	vadd.s32 $0x8200, v3;
	_ =	sdelay $0x3  }
0x9c: {  	[tilespmem:v55+s12+$0x0] =	vst.idx.msk $0xffff, v5  }
0x9d: {  	v57 =	vor.u32 $0x24, v4;
	v5 =	vld.idx.msk [tilespmem:v56+s3+$0x0], $0xffff  }
0x9e: {  	v58 =	vadd.s32 $0x8280, v3;
	_ =	sdelay $0x3  }
0x9f: {  	[tilespmem:v57+s12+$0x0] =	vst.idx.msk $0xffff, v5  }
0xa0: {  	v59 =	vor.u32 $0x25, v4;
	v5 =	vld.idx.msk [tilespmem:v58+s3+$0x0], $0xffff  }
0xa1: {  	v60 =	vadd.s32 $0x8300, v3;
	_ =	sdelay $0x3  }
0xa2: {  	[tilespmem:v59+s12+$0x0] =	vst.idx.msk $0xffff, v5  }
0xa3: {  	v61 =	vor.u32 $0x26, v4;
	v5 =	vld.idx.msk [tilespmem:v60+s3+$0x0], $0xffff  }
0xa4: {  	v62 =	vadd.s32 $0x8380, v3;
	_ =	sdelay $0x3  }
0xa5: {  	[tilespmem:v61+s12+$0x0] =	vst.idx.msk $0xffff, v5  }
0xa6: {  	v63 =	vor.u32 $0x27, v4;
	v5 =	vld.idx.msk [tilespmem:v62+s3+$0x0], $0xffff  }
0xa7: {  	v9 =	vadd.s32 $0xA000, v3;
	_ =	sdelay $0x3  }
0xa8: {  	[tilespmem:v63+s12+$0x0] =	vst.idx.msk $0xffff, v5  }
0xa9: {  	v10 =	vor.u32 $0x28, v4;
	v5 =	vld.idx.msk [tilespmem:v9+s3+$0x0], $0xffff  }
0xaa: {  	v11 =	vadd.s32 $0xA080, v3;
	_ =	sdelay $0x3  }
0xab: {  	[tilespmem:v10+s12+$0x0] =	vst.idx.msk $0xffff, v5  }
0xac: {  	v12 =	vor.u32 $0x29, v4;
	v5 =	vld.idx.msk [tilespmem:v11+s3+$0x0], $0xffff  }
0xad: {  	v13 =	vadd.s32 $0xA100, v3;
	_ =	sdelay $0x3  }
0xae: {  	[tilespmem:v12+s12+$0x0] =	vst.idx.msk $0xffff, v5  }
0xaf: {  	v14 =	vor.u32 $0x2A, v4;
	v5 =	vld.idx.msk [tilespmem:v13+s3+$0x0], $0xffff  }
0xb0: {  	v15 =	vadd.s32 $0xA180, v3;
	_ =	sdelay $0x3  }
0xb1: {  	[tilespmem:v14+s12+$0x0] =	vst.idx.msk $0xffff, v5  }
0xb2: {  	v16 =	vor.u32 $0x2B, v4;
	v5 =	vld.idx.msk [tilespmem:v15+s3+$0x0], $0xffff  }
0xb3: {  	v17 =	vadd.s32 $0xA200, v3;
	_ =	sdelay $0x3  }
0xb4: {  	[tilespmem:v16+s12+$0x0] =	vst.idx.msk $0xffff, v5  }
0xb5: {  	v18 =	vor.u32 $0x2C, v4;
	v5 =	vld.idx.msk [tilespmem:v17+s3+$0x0], $0xffff  }
0xb6: {  	v19 =	vadd.s32 $0xA280, v3;
	_ =	sdelay $0x3  }
0xb7: {  	[tilespmem:v18+s12+$0x0] =	vst.idx.msk $0xffff, v5  }
0xb8: {  	v20 =	vor.u32 $0x2D, v4;
	v5 =	vld.idx.msk [tilespmem:v19+s3+$0x0], $0xffff  }
0xb9: {  	v21 =	vadd.s32 $0xA300, v3;
	_ =	sdelay $0x3  }
0xba: {  	[tilespmem:v20+s12+$0x0] =	vst.idx.msk $0xffff, v5  }
0xbb: {  	v22 =	vor.u32 $0x2E, v4;
	v5 =	vld.idx.msk [tilespmem:v21+s3+$0x0], $0xffff  }
0xbc: {  	v23 =	vadd.s32 $0xA380, v3;
	_ =	sdelay $0x3  }
0xbd: {  	[tilespmem:v22+s12+$0x0] =	vst.idx.msk $0xffff, v5  }
0xbe: {  	v24 =	vor.u32 $0x2F, v4;
	v5 =	vld.idx.msk [tilespmem:v23+s3+$0x0], $0xffff  }
0xbf: {  	v25 =	vadd.s32 $0xC000, v3;
	_ =	sdelay $0x3  }
0xc0: {  	[tilespmem:v24+s12+$0x0] =	vst.idx.msk $0xffff, v5  }
0xc1: {  	v26 =	vor.u32 $0x30, v4;
	v5 =	vld.idx.msk [tilespmem:v25+s3+$0x0], $0xffff  }
0xc2: {  	v27 =	vadd.s32 $0xC080, v3;
	_ =	sdelay $0x3  }
0xc3: {  	[tilespmem:v26+s12+$0x0] =	vst.idx.msk $0xffff, v5  }
0xc4: {  	v28 =	vor.u32 $0x31, v4;
	v5 =	vld.idx.msk [tilespmem:v27+s3+$0x0], $0xffff  }
0xc5: {  	v29 =	vadd.s32 $0xC100, v3;
	_ =	sdelay $0x3  }
0xc6: {  	[tilespmem:v28+s12+$0x0] =	vst.idx.msk $0xffff, v5  }
0xc7: {  	v30 =	vor.u32 $0x32, v4;
	v5 =	vld.idx.msk [tilespmem:v29+s3+$0x0], $0xffff  }
0xc8: {  	v31 =	vadd.s32 $0xC180, v3;
	_ =	sdelay $0x3  }
0xc9: {  	[tilespmem:v30+s12+$0x0] =	vst.idx.msk $0xffff, v5  }
0xca: {  	v32 =	vor.u32 $0x33, v4;
	v5 =	vld.idx.msk [tilespmem:v31+s3+$0x0], $0xffff  }
0xcb: {  	v33 =	vadd.s32 $0xC200, v3;
	_ =	sdelay $0x3  }
0xcc: {  	[tilespmem:v32+s12+$0x0] =	vst.idx.msk $0xffff, v5  }
0xcd: {  	v34 =	vor.u32 $0x34, v4;
	v5 =	vld.idx.msk [tilespmem:v33+s3+$0x0], $0xffff  }
0xce: {  	v35 =	vadd.s32 $0xC280, v3;
	_ =	sdelay $0x3  }
0xcf: {  	[tilespmem:v34+s12+$0x0] =	vst.idx.msk $0xffff, v5  }
0xd0: {  	v36 =	vor.u32 $0x35, v4;
	v5 =	vld.idx.msk [tilespmem:v35+s3+$0x0], $0xffff  }
0xd1: {  	v37 =	vadd.s32 $0xC300, v3;
	_ =	sdelay $0x3  }
0xd2: {  	[tilespmem:v36+s12+$0x0] =	vst.idx.msk $0xffff, v5  }
0xd3: {  	v38 =	vor.u32 $0x36, v4;
	v5 =	vld.idx.msk [tilespmem:v37+s3+$0x0], $0xffff  }
0xd4: {  	v39 =	vadd.s32 $0xC380, v3;
	_ =	sdelay $0x3  }
0xd5: {  	[tilespmem:v38+s12+$0x0] =	vst.idx.msk $0xffff, v5  }
0xd6: {  	v40 =	vor.u32 $0x37, v4;
	v5 =	vld.idx.msk [tilespmem:v39+s3+$0x0], $0xffff  }
0xd7: {  	v41 =	vadd.s32 $0xE000, v3;
	_ =	sdelay $0x3  }
0xd8: {  	[tilespmem:v40+s12+$0x0] =	vst.idx.msk $0xffff, v5  }
0xd9: {  	v42 =	vor.u32 $0x38, v4;
	v5 =	vld.idx.msk [tilespmem:v41+s3+$0x0], $0xffff  }
0xda: {  	v43 =	vadd.s32 $0xE080, v3;
	_ =	sdelay $0x3  }
0xdb: {  	[tilespmem:v42+s12+$0x0] =	vst.idx.msk $0xffff, v5  }
0xdc: {  	v44 =	vor.u32 $0x39, v4;
	v5 =	vld.idx.msk [tilespmem:v43+s3+$0x0], $0xffff  }
0xdd: {  	v45 =	vadd.s32 $0xE100, v3;
	_ =	sdelay $0x3  }
0xde: {  	[tilespmem:v44+s12+$0x0] =	vst.idx.msk $0xffff, v5  }
0xdf: {  	v46 =	vor.u32 $0x3A, v4;
	v5 =	vld.idx.msk [tilespmem:v45+s3+$0x0], $0xffff  }
0xe0: {  	v47 =	vadd.s32 $0xE180, v3;
	_ =	sdelay $0x3  }
0xe1: {  	[tilespmem:v46+s12+$0x0] =	vst.idx.msk $0xffff, v5  }
0xe2: {  	v48 =	vor.u32 $0x3B, v4;
	v5 =	vld.idx.msk [tilespmem:v47+s3+$0x0], $0xffff  }
0xe3: {  	v49 =	vadd.s32 $0xE200, v3;
	_ =	sdelay $0x3  }
0xe4: {  	[tilespmem:v48+s12+$0x0] =	vst.idx.msk $0xffff, v5  }
0xe5: {  	v50 =	vor.u32 $0x3C, v4;
	v5 =	vld.idx.msk [tilespmem:v49+s3+$0x0], $0xffff  }
0xe6: {  	v51 =	vadd.s32 $0xE280, v3;
	_ =	sdelay $0x3  }
0xe7: {  	[tilespmem:v50+s12+$0x0] =	vst.idx.msk $0xffff, v5  }
0xe8: {  	v52 =	vor.u32 $0x3D, v4;
	v5 =	vld.idx.msk [tilespmem:v51+s3+$0x0], $0xffff  }
0xe9: {  	v53 =	vadd.s32 $0xE300, v3;
	_ =	sdelay $0x3  }
0xea: {  	[tilespmem:v52+s12+$0x0] =	vst.idx.msk $0xffff, v5  }
0xeb: {  	v54 =	vor.u32 $0x3E, v4;
	v5 =	vld.idx.msk [tilespmem:v53+s3+$0x0], $0xffff  }
0xec: {  	v55 =	vadd.s32 $0xE380, v3;
	_ =	sdelay $0x3  }
0xed: {  	[tilespmem:v54+s12+$0x0] =	vst.idx.msk $0xffff, v5  }
0xee: {  	v56 =	vor.u32 $0x3F, v4;
	v5 =	vld.idx.msk [tilespmem:v55+s3+$0x0], $0xffff  }
0xef: {  	v57 =	vadd.s32 $0x10000, v3;
	_ =	sdelay $0x3  }
0xf0: {  	[tilespmem:v56+s12+$0x0] =	vst.idx.msk $0xffff, v5  }
0xf1: {  	v58 =	vor.u32 $0x40, v4;
	v5 =	vld.idx.msk [tilespmem:v57+s3+$0x0], $0xffff  }
0xf2: {  	v59 =	vadd.s32 $0x10080, v3;
	_ =	sdelay $0x3  }
0xf3: {  	[tilespmem:v58+s12+$0x0] =	vst.idx.msk $0xffff, v5  }
0xf4: {  	v60 =	vor.u32 $0x41, v4;
	v5 =	vld.idx.msk [tilespmem:v59+s3+$0x0], $0xffff  }
0xf5: {  	v61 =	vadd.s32 $0x10100, v3;
	_ =	sdelay $0x3  }
0xf6: {  	[tilespmem:v60+s12+$0x0] =	vst.idx.msk $0xffff, v5  }
0xf7: {  	v62 =	vor.u32 $0x42, v4;
	v5 =	vld.idx.msk [tilespmem:v61+s3+$0x0], $0xffff  }
0xf8: {  	v63 =	vadd.s32 $0x10180, v3;
	_ =	sdelay $0x3  }
0xf9: {  	[tilespmem:v62+s12+$0x0] =	vst.idx.msk $0xffff, v5  }
0xfa: {  	v9 =	vor.u32 $0x43, v4;
	v5 =	vld.idx.msk [tilespmem:v63+s3+$0x0], $0xffff  }
0xfb: {  	v10 =	vadd.s32 $0x10200, v3;
	_ =	sdelay $0x3  }
0xfc: {  	[tilespmem:v9+s12+$0x0] =	vst.idx.msk $0xffff, v5  }
0xfd: {  	v11 =	vor.u32 $0x44, v4;
	v5 =	vld.idx.msk [tilespmem:v10+s3+$0x0], $0xffff  }
0xfe: {  	v12 =	vadd.s32 $0x10280, v3;
	_ =	sdelay $0x3  }
0xff: {  	[tilespmem:v11+s12+$0x0] =	vst.idx.msk $0xffff, v5  }
0x100: {  	v13 =	vor.u32 $0x45, v4;
	v5 =	vld.idx.msk [tilespmem:v12+s3+$0x0], $0xffff  }
0x101: {  	v14 =	vadd.s32 $0x10300, v3;
	_ =	sdelay $0x3  }
0x102: {  	[tilespmem:v13+s12+$0x0] =	vst.idx.msk $0xffff, v5  }
0x103: {  	v15 =	vor.u32 $0x46, v4;
	v5 =	vld.idx.msk [tilespmem:v14+s3+$0x0], $0xffff  }
0x104: {  	v16 =	vadd.s32 $0x10380, v3;
	_ =	sdelay $0x3  }
0x105: {  	[tilespmem:v15+s12+$0x0] =	vst.idx.msk $0xffff, v5  }
0x106: {  	v17 =	vor.u32 $0x47, v4;
	v5 =	vld.idx.msk [tilespmem:v16+s3+$0x0], $0xffff  }
0x107: {  	v18 =	vadd.s32 $0x12000, v3;
	_ =	sdelay $0x3  }
0x108: {  	[tilespmem:v17+s12+$0x0] =	vst.idx.msk $0xffff, v5  }
0x109: {  	v19 =	vor.u32 $0x48, v4;
	v5 =	vld.idx.msk [tilespmem:v18+s3+$0x0], $0xffff  }
0x10a: {  	v20 =	vadd.s32 $0x12080, v3;
	_ =	sdelay $0x3  }
0x10b: {  	[tilespmem:v19+s12+$0x0] =	vst.idx.msk $0xffff, v5  }
0x10c: {  	v21 =	vor.u32 $0x49, v4;
	v5 =	vld.idx.msk [tilespmem:v20+s3+$0x0], $0xffff  }
0x10d: {  	v22 =	vadd.s32 $0x12100, v3;
	_ =	sdelay $0x3  }
0x10e: {  	[tilespmem:v21+s12+$0x0] =	vst.idx.msk $0xffff, v5  }
0x10f: {  	v23 =	vor.u32 $0x4A, v4;
	v5 =	vld.idx.msk [tilespmem:v22+s3+$0x0], $0xffff  }
0x110: {  	v24 =	vadd.s32 $0x12180, v3;
	_ =	sdelay $0x3  }
0x111: {  	[tilespmem:v23+s12+$0x0] =	vst.idx.msk $0xffff, v5  }
0x112: {  	v25 =	vor.u32 $0x4B, v4;
	v5 =	vld.idx.msk [tilespmem:v24+s3+$0x0], $0xffff  }
0x113: {  	v26 =	vadd.s32 $0x12200, v3;
	_ =	sdelay $0x3  }
0x114: {  	[tilespmem:v25+s12+$0x0] =	vst.idx.msk $0xffff, v5  }
0x115: {  	v27 =	vor.u32 $0x4C, v4;
	v5 =	vld.idx.msk [tilespmem:v26+s3+$0x0], $0xffff  }
0x116: {  	v28 =	vadd.s32 $0x12280, v3;
	_ =	sdelay $0x3  }
0x117: {  	[tilespmem:v27+s12+$0x0] =	vst.idx.msk $0xffff, v5  }
0x118: {  	v29 =	vor.u32 $0x4D, v4;
	v5 =	vld.idx.msk [tilespmem:v28+s3+$0x0], $0xffff  }
0x119: {  	v30 =	vadd.s32 $0x12300, v3;
	_ =	sdelay $0x3  }
0x11a: {  	[tilespmem:v29+s12+$0x0] =	vst.idx.msk $0xffff, v5  }
0x11b: {  	v31 =	vor.u32 $0x4E, v4;
	v5 =	vld.idx.msk [tilespmem:v30+s3+$0x0], $0xffff  }
0x11c: {  	v32 =	vadd.s32 $0x12380, v3;
	_ =	sdelay $0x3  }
0x11d: {  	[tilespmem:v31+s12+$0x0] =	vst.idx.msk $0xffff, v5  }
0x11e: {  	v33 =	vor.u32 $0x4F, v4;
	v5 =	vld.idx.msk [tilespmem:v32+s3+$0x0], $0xffff  }
0x11f: {  	v34 =	vadd.s32 $0x14000, v3;
	_ =	sdelay $0x3  }
0x120: {  	[tilespmem:v33+s12+$0x0] =	vst.idx.msk $0xffff, v5  }
0x121: {  	v35 =	vor.u32 $0x50, v4;
	v5 =	vld.idx.msk [tilespmem:v34+s3+$0x0], $0xffff  }
0x122: {  	v36 =	vadd.s32 $0x14080, v3;
	_ =	sdelay $0x3  }
0x123: {  	[tilespmem:v35+s12+$0x0] =	vst.idx.msk $0xffff, v5  }
0x124: {  	v37 =	vor.u32 $0x51, v4;
	v5 =	vld.idx.msk [tilespmem:v36+s3+$0x0], $0xffff  }
0x125: {  	v38 =	vadd.s32 $0x14100, v3;
	_ =	sdelay $0x3  }
0x126: {  	[tilespmem:v37+s12+$0x0] =	vst.idx.msk $0xffff, v5  }
0x127: {  	v39 =	vor.u32 $0x52, v4;
	v5 =	vld.idx.msk [tilespmem:v38+s3+$0x0], $0xffff  }
0x128: {  	v40 =	vadd.s32 $0x14180, v3;
	_ =	sdelay $0x3  }
0x129: {  	[tilespmem:v39+s12+$0x0] =	vst.idx.msk $0xffff, v5  }
0x12a: {  	v41 =	vor.u32 $0x53, v4;
	v5 =	vld.idx.msk [tilespmem:v40+s3+$0x0], $0xffff  }
0x12b: {  	v42 =	vadd.s32 $0x14200, v3;
	_ =	sdelay $0x3  }
0x12c: {  	[tilespmem:v41+s12+$0x0] =	vst.idx.msk $0xffff, v5  }
0x12d: {  	v43 =	vor.u32 $0x54, v4;
	v5 =	vld.idx.msk [tilespmem:v42+s3+$0x0], $0xffff  }
0x12e: {  	v44 =	vadd.s32 $0x14280, v3;
	_ =	sdelay $0x3  }
0x12f: {  	[tilespmem:v43+s12+$0x0] =	vst.idx.msk $0xffff, v5  }
0x130: {  	v45 =	vor.u32 $0x55, v4;
	v5 =	vld.idx.msk [tilespmem:v44+s3+$0x0], $0xffff  }
0x131: {  	v46 =	vadd.s32 $0x14300, v3;
	_ =	sdelay $0x3  }
0x132: {  	[tilespmem:v45+s12+$0x0] =	vst.idx.msk $0xffff, v5  }
0x133: {  	v47 =	vor.u32 $0x56, v4;
	v5 =	vld.idx.msk [tilespmem:v46+s3+$0x0], $0xffff  }
0x134: {  	v48 =	vadd.s32 $0x14380, v3;
	_ =	sdelay $0x3  }
0x135: {  	[tilespmem:v47+s12+$0x0] =	vst.idx.msk $0xffff, v5  }
0x136: {  	v49 =	vor.u32 $0x57, v4;
	v5 =	vld.idx.msk [tilespmem:v48+s3+$0x0], $0xffff  }
0x137: {  	v50 =	vadd.s32 $0x16000, v3;
	_ =	sdelay $0x3  }
0x138: {  	[tilespmem:v49+s12+$0x0] =	vst.idx.msk $0xffff, v5  }
0x139: {  	v51 =	vor.u32 $0x58, v4;
	v5 =	vld.idx.msk [tilespmem:v50+s3+$0x0], $0xffff  }
0x13a: {  	v52 =	vadd.s32 $0x16080, v3;
	_ =	sdelay $0x3  }
0x13b: {  	[tilespmem:v51+s12+$0x0] =	vst.idx.msk $0xffff, v5  }
0x13c: {  	v53 =	vor.u32 $0x59, v4;
	v5 =	vld.idx.msk [tilespmem:v52+s3+$0x0], $0xffff  }
0x13d: {  	v54 =	vadd.s32 $0x16100, v3;
	_ =	sdelay $0x3  }
0x13e: {  	[tilespmem:v53+s12+$0x0] =	vst.idx.msk $0xffff, v5  }
0x13f: {  	v55 =	vor.u32 $0x5A, v4;
	v5 =	vld.idx.msk [tilespmem:v54+s3+$0x0], $0xffff  }
0x140: {  	v56 =	vadd.s32 $0x16180, v3;
	_ =	sdelay $0x3  }
0x141: {  	[tilespmem:v55+s12+$0x0] =	vst.idx.msk $0xffff, v5  }
0x142: {  	v57 =	vor.u32 $0x5B, v4;
	v5 =	vld.idx.msk [tilespmem:v56+s3+$0x0], $0xffff  }
0x143: {  	v58 =	vadd.s32 $0x16200, v3;
	_ =	sdelay $0x3  }
0x144: {  	[tilespmem:v57+s12+$0x0] =	vst.idx.msk $0xffff, v5  }
0x145: {  	v59 =	vor.u32 $0x5C, v4;
	v5 =	vld.idx.msk [tilespmem:v58+s3+$0x0], $0xffff  }
0x146: {  	v60 =	vadd.s32 $0x16280, v3;
	_ =	sdelay $0x3  }
0x147: {  	[tilespmem:v59+s12+$0x0] =	vst.idx.msk $0xffff, v5  }
0x148: {  	v61 =	vor.u32 $0x5D, v4;
	v5 =	vld.idx.msk [tilespmem:v60+s3+$0x0], $0xffff  }
0x149: {  	v62 =	vadd.s32 $0x16300, v3;
	_ =	sdelay $0x3  }
0x14a: {  	[tilespmem:v61+s12+$0x0] =	vst.idx.msk $0xffff, v5  }
0x14b: {  	v63 =	vor.u32 $0x5E, v4;
	v5 =	vld.idx.msk [tilespmem:v62+s3+$0x0], $0xffff  }
0x14c: {  	v3 =	vadd.s32 $0x16380, v3;
	_ =	sdelay $0x3  }
0x14d: {  	[tilespmem:v63+s12+$0x0] =	vst.idx.msk $0xffff, v5  }
0x14e: {  	p0 =	sne.s32 s20, $0x30;
	v4 =	vor.u32 $0x5F, v4;
	v3 =	vld.idx.msk [tilespmem:v3+s3+$0x0], $0xffff  }
.Ltmp1:
0x14f: {  	_ = 	snop;
	(pc) =	sbr.rel @p0 .LBB2_6-.Ltmp1, $2  }
0x150: {  	_ =	sdelay $0x2  }
0x151: {  	s19 =	sadd.s32 $0x10, s19;
	s20 =	sadd.s32 $0x10, s20;
	[tilespmem:v4+s12+$0x0] =	vst.idx.msk $0xffff, v3  }
0x152: {  	s19 =	sshll.u32 s17, $0xD  }
0x153: {  	s17 =	sadd.s32 $0x1, s17;
	s19 =	sadd.s32 s16, s19  }
0x154: {  	p0 =	sne.s32 s17, $0xC;
	s19 =	sshrl.u32 s19, $0x3  }
.Ltmp2:
0x155: {  	s19 =	sadd.s32 s5, s19;
	(pc) =	sbr.rel @p0 .LBB2_5-.Ltmp2, $4  }
0x156: {  	[hbm4b:s19+s3] =	stream.linear.scatter [tilespmem:s12], [sflag:$0x1], $0x2000, $0x38;
	[tilespmem:$0x1A700] =	vst v63  }
0x157: {  	_ =	swait.ge [sflag:s13], $0x2000  }
0x158: {  	[sflag:s13] =	ssyncset.done $0x0  }
0x159: {  	s18 =	sadd.s32 $0x40, s18;
	[sflag:s13] =	ssyncadd.s32 $0xFFFFE000  }
0x15a: {  	s15 =	sadd.s32 $0x1, s15  }
0x15b: {  	p0 =	sne.s32 s15, $0x8  }
.Ltmp3:
0x15c: {  	_ = 	snop;
	(pc) =	sbr.rel @p0 .LBB2_2-.Ltmp3, $1  }
0x15d: {  	_ =	sdelay $0x3  }
0x15e: {  	s14 =	sadd.s32 $0x1, s14  }
0x15f: {  	p0 =	sne.s32 s14, s7  }
.Ltmp4:
0x160: {  	_ = 	snop;
	(pc) =	sbr.rel @p0 .LBB2_1-.Ltmp4, $1  }
0x161: {  	_ =	sdelay $0x3  }
0x162: {  	_ =	sfence.sel $0x180000  }
0x163: {  	[bflag:$0x0] =	sbarrier.arrive $0xFFFF  }
0x164: {  	p0 =	sne.s32 s2, $0x0;
	_ =	strace $0x90000047  }
0x165: {  	s0 =	sadd.s32 @!p0 $0x100000, s0;
	[bflag:$0x2] =	sbarrier.arrive $0xFFFF  }
0x166: {  	[sflag:s0] =	ssyncadd.tile.s32 @!p0 $0x1;
	_ =	shalt  }
.Lfunc_end2:
_tile_overlayer_lowered:
.L_overlay_start_2:
0x167: {  	(tag) =	ssettag $0x2  }
0x168: {  	s0 =	rddreg [dreg:$0x0];
	s2 =	stileid.u32  }
0x169: {  	s1 =	rddreg [dreg:$0x1];
	p0 =	sne.s32 s2, $0x0  }
0x16a: {  	s3 =	rddreg [dreg:$0x2];
	[bflag:$0x3] =	sbarrier.arrive $0xFFFF;
	s2 =	simm.s32 @!p0 $0x1C02  }
0x16b: {  	[timem:s3], [sflag:s2] =	dma.local @!p0 [hbm:s0], s1  }
0x16c: {  	s0 =	simm.s32 @!p0 $0x2  }
0x16d: {  	_ =	swait.ge @!p0 [sflag:s0], s1  }
0x16e: {  	s1 =	ssub.s32 @!p0 $0x0, s1;
	[sflag:s0] =	ssyncset.done @!p0 $0x0  }
0x16f: {  	[sflag:s0] =	ssyncadd.s32 @!p0 s1  }
0x170: {  	[bflag:$0x3] =	sbarrier.arrive $0xFFFF  }
0x171: {  	_ =	shalt  }

// kernel: sparse-core-data-format-call.cloned.1.call-start
scs
called_computation_lowered:
.L_overlay_start_0:
0x0: {  	s2 =	sld [smem:$0x3FD9]  }
0x1: {  	s3 =	sld [smem:$0x3FFE];
	_ =	sdelay $0x1  }
0x2: {  	s1 =	srdreg.scid  }
0x3: {  	s0 =	sand.u32 $0x1, s1  }
0x4: {  	s18 =	sshll.u32 s0, $0xA;
	s2 =	sadd.s32 s3, s2  }
0x5: {  	s2 =	sadd.s32 s2, s18  }
0x6: {  	[smem:$0x3FC3] =	sst s2  }
0x7: {  	_ = 	snop  }
0x8: {  	s2 =	sld [smem:$0x3FD0];
	(tm) =	ssettm $0x1  }
0x9: {  	s19 =	sld [smem:$0x3FFB];
	_ =	sdelay $0x3  }
0xa: {  	_ =	strace s19  }
0xb: {  	s3 =	sld [smem:$0x3FFC];
	_ =	sdelay $0x3  }
0xc: {  	_ =	strace s3  }
0xd: {  	s3 =	sld [smem:$0x3FFD];
	_ =	sdelay $0x3  }
0xe: {  	_ =	strace s3  }
0xf: {  	_ =	strace $0x8FFFFFFF  }
0x10: {  	s20 =	sld [smem:$0x3FDB];
	_ =	sdelay $0x1  }
0x11: {  	s4 =	simm.s32 $_scs_section_size  }
0x12: {  	s5 =	simm.s32 $_size__tile_overlayer_lowered;
	s6 =	simm.s32 $_tile_overlayer_lowered  }
0x13: {  	s23 =	simm.s32 $0x1BFF;
	s22 =	sshll.u32 s6, $0x1;
	s3 =	sadd.s32 s4, s20  }
0x14: {  	s7 =	simm.s32 $0x0;
	s21 =	sshll.u32 s5, $0x1;
	s5 =	sadd.s32 s22, s3  }
0x15: {  	[timem:s7], [sflag:s23] =	dma.local [hbm:s5], s21  }
0x16: {  	_ =	swait.ge [sflag:s23], s21  }
0x17: {  	s4 =	ssub.s32 $0x0, s21;
	[sflag:s23] =	ssyncset.done $0x0  }
0x18: {  	[sflag:s23] =	ssyncadd.s32 s4;
	_ =	sdelay $0x1  }
0x19: {  	s24 =	simm.s32 $0x1B8B  }
0x1a: {  	_ =	swait.ge [sflag:s24], $0x1  }
0x1b: {  	[sflag:s24] =	ssyncset.done $0x0  }
0x1c: {  	s26 =	simm.s32 $0x1B8E;
	s25 =	sld [smem:$0x3FFE];
	[sflag:s24] =	ssyncadd.s32 $0xFFFFFFFF  }
0x1d: {  	s27 =	simm.s32 $execute0_lowered;
	[smem:$0x3FD2] =	sst s26  }
0x1e: {  	s5 =	sshll.u32 s27, $0x1;
	_ =	strace $0x80000049;
	[dreg:$0x1] =	wrdreg $0xFFFFFFFF  }
0x1f: {  	s28 =	simm.s32 $_size_execute0_lowered;
	s3 =	sadd.s32 s3, s5;
	[dreg:$0x0] =	wrdreg $0x0  }
0x20: {  	s5 =	sshll.u32 s28, $0x1;
	[dreg:$0x2] =	wrdreg s3  }
0x21: {  	[dreg:$0x3] =	wrdreg s5  }
0x22: {  	[dreg:$0x4] =	wrdreg $0xC0  }
0x23: {  	_ =	task [dreg:s7], $0x5FFFF  }
0x24: {  	[dreg:$0x1] =	wrdreg $0xFFFFFFFF  }
0x25: {  	[dreg:$0x0] =	wrdreg $0x60  }
0x26: {  	[dreg:$0x2] =	wrdreg s25  }
0x27: {  	[dreg:$0x3] =	wrdreg s2  }
0x28: {  	[dreg:$0x4] =	wrdreg $0x9  }
0x29: {  	_ =	task.clear_ibuf [dreg:s7], $0x5FFFF;
	_ =	strace $0x90000049  }
0x2a: {  	s29 =	simm.s32 $0x9;
	_ =	strace $0x8000004B  }
0x2b: {  	_ =	swait.ge [sflag:s29], $0x1  }
0x2c: {  	[sflag:s29] =	ssyncadd.s32 $0xFFFFFFFF  }
0x2d: {  	_ =	strace $0x9000004B  }
0x2e: {  	_ =	sfence  }
0x2f: {  	s30 =	sld [smem:$0x0];
	_ =	sdelay $0x2  }
0x30: {  	s31 =	sshll.u32 s1, $0xD;
	s1 =	sshrl.u32 s1, $0x2  }
0x31: {  	s3 =	sand.u32 $0x4000, s31;
	s1 =	sadd.s32 s1, s30  }
0x32: {  	s0 =	sor.u32 s3, s0;
	s1 =	sshll.u32 s1, $0x11  }
0x33: {  	s0 =	sor.u32 s1, s0  }
0x34: {  	s0 =	sadd.s32 $0x8F2B, s0  }
0x35: {  	[sflag:s0] =	ssyncadd.remote.s32 $0x1  }
0x36: {  	_ =	sfence.sel $0xFFFF  }
0x37: {  	[dreg:$0x0] =	wrdreg $0xFFFFFFFF;
	(pc) =	sbr.abs _section_cstart, $3  }
0x38: {  	[dreg:$0x1] =	wrdreg $0xFFFFFFFF  }
0x39: {  	_ =	task.clear_ibuf [dreg:s7], $0x2FFFF;
	_ =	strace $0x9FFFFFFF  }
0x3a: {  	(tm) =	ssettm $0x7FFFFFFF  }
0x3b: {  	_ =	shalt  }
tec
execute0_lowered:
.L_overlay_start_1:
0x0: {  	(tag) =	ssettag $0x1  }
0x1: {  	s0 =	stileid.u32  }
0x2: {  	s1 =	srdreg.scid;
	s7 =	rddreg [dreg:$0x0]  }
0x3: {  	s3 =	rddreg [dreg:$0x1];
	s31 =	simm.s32 $0x2;
	s16 =	simm.s32 $0x0  }
0x4: {  	p0 =	por $0x0, $0x0;
	s9 =	simm.s32 $0x800;
	s15 =	simm.s32 $0x0  }
0x5: {  	s10 =	simm.s32 $0x0;
	s1 =	sshll.u32 s1, $0x4;
	s2 =	sshll.u32 s0, $0x7  }
0x6: {  	s11 =	simm.s32 $0x0;
	s1 =	sand.u32 $0x10, s1;
	s2 =	sand.u32 $0x80, s2  }
0x7: {  	s14 =	simm.s32 $0x0;
	s1 =	sor.u32 s0, s1;
	s5 =	ssub.s32 $0x100, s2  }
0x8: {  	s4 =	sshrl.u32 s1, $0x1;
	s30 =	sshrl.u32 s5, $0x7;
	s5 =	sshrl.u32 s5, $0x8  }
.Ltmp0:
0x9: {  	s6 =	sand.u32 $0x1, s30;
	s8 =	ssub.s32 $0x2DB, s4;
	(pc) =	sbr.rel .LBB1_1-.Ltmp0, $4  }
0xa: {  	s1 =	rddreg [dreg:$0x2];
	s6 =	sadd.s32 s5, s6;
	s8 =	sshrl.u32 s8, $0x4  }
0xb: {  	_ =	strace $0x8000004A;
	s5 =	simm.s32 $0x1;
	s6 =	smul.u32 s6, s8  }
0xc: {  	s7 =	sadd.s32 $0x300E00, s7;
	s13 =	smov.u32 s2;
	[sflag:s5] =	ssyncpa.u1 $0x0  }
0xd: {  	s12 =	smov.u32 s4;
	[sflag:s31] =	ssyncpa.u1 $0x0;
	s8 =	sadd.s32 $0x1, s6  }
.LBB1_4:
0xe: {  	s21 =	sshra.s32 s21, $0x2  }
0xf: {  	s30 =	sshrl.u32 s11, $0x5;
	p1 =	sgt.s32 s10, $0x2CB;
	s22 =	smov.u32 s10  }
0x10: {  	v5 =	vld [tilespmem:s18+$0xFFFFFFD0];
	[tilespmem:s19+$0x2040 ss:$0x81] =	vst.msk $0xffff, v4;
	s23 =	sshra.s32 s10, $0x1F;
	s25 =	sshra.s32 s11, $0x1F;
	s27 =	smul.u32 $0xC00, s10  }
0x11: {  	v58 =	vld [tilespmem:s18+$0xFFFFFFE0];
	[tilespmem:s19+$0x2850 ss:$0x81] =	vst.msk $0xffff, v3;
	s28 =	sshrl.u32 s11, $0x3;
	s20 =	sadd.s32 s21, s20;
	s21 =	sand.u32 $0xFFFFFC, s30  }
0x12: {  	v59 =	vld [tilespmem:s18+$0xFFFFFFF0];
	[tilespmem:s19+$0x3060 ss:$0x81] =	vst.msk $0xffff, v2;
	s22 =	simm.s32 @!p1 $0x2CB;
	s23 =	sand.u32 s23, s10;
	p1 =	sgt.s32 s11, $0x80  }
0x13: {  	v60 =	vld [tilespmem:s18+$0x0];
	[tilespmem:s19+$0x0 ss:$0x81] =	vst.msk $0xffff, v1;
	s25 =	sand.u32 s25, s11;
	s22 =	ssub.s32 s22, s23;
	s23 =	smov.u32 s11  }
0x14: {  	v61 =	vld [tilespmem:s18+$0x10];
	s24 =	smulhi.u32 $0x2AAAAAB, s21;
	[tilespmem:s20+$0x3870 ss:$0x81] =	vst.msk $0xffff, v0;
	s31 =	ssub.s32 $0x2CC, s22;
	s23 =	simm.s32 @!p1 $0x80  }
0x15: {  	v62 =	vld [tilespmem:s18+$0x20];
	s22 =	sadd.s32 $0xFFFFFD35, s22;
	s23 =	ssub.s32 s23, s25;
	s19 =	smul.u32 $0x60, s31;
	[tilespmem:s20+$0x810 ss:$0x81] =	vst.msk $0xffff, v5  }
0x16: {  	v63 =	vld [tilespmem:s18+$0xFFFFFFC0];
	s24 =	smul.u32 $0x60, s24;
	p1 =	sgt.s32 s22, $0x0;
	s26 =	sadd.s32 $0xFFFFFF80, s23;
	[tilespmem:s20+$0x1020 ss:$0x81] =	vst.msk $0xffff, v58  }
0x17: {  	s18 =	ssub.s32 $0x100, s23;
	[tilespmem:s20+$0x1830 ss:$0x81] =	vst.msk $0xffff, v59;
	s19 =	simm.s32 @p1 $0x0;
	p1 =	sgt.s32 s26, $0x7F  }
0x18: {  	s29 =	sand.u32 $0x7, s11;
	s22 =	sadd.s32 s3, s27;
	[tilespmem:s20+$0x2040 ss:$0x81] =	vst.msk $0xffff, v60;
	s18 =	simm.s32 @p1 $0x0  }
0x19: {  	[tilespmem:s20+$0x2850 ss:$0x81] =	vst.msk $0xffff, v61;
	s21 =	ssub.s32 s21, s24;
	s18 =	smul.u32 s18, s19;
	s19 =	sand.u32 $0xF, s28  }
0x1a: {  	s30 =	sshll.u32 s29, $0x12;
	[tilespmem:s20+$0x3060 ss:$0x81] =	vst.msk $0xffff, v62;
	s21 =	sshll.u32 s21, $0x5;
	s19 =	sadd.s32 s19, s22  }
0x1b: {  	s31 =	sor.u32 $0x400, s30;
	[tilespmem:s20+$0x0 ss:$0x81] =	vst.msk $0xffff, v63;
	s18 =	sand.u32 $0x3FFFFFE0, s18;
	s19 =	sadd.s32 s21, s19  }
0x1c: {  	[hbm4b:s19+s31] =	stream.strided.scatter [tilespmem:s17], [sflag:$0x2], s18, s9, s31, $0x20;
	[tilespmem:$0x10100] =	vst v63  }
.LBB1_5:
0x1d: {  	p1 =	slt.u32 s14, $0x2  }
0x1e: {  	s18 =	smov.u32 s16;
	p2 =	sgt.s32 @!p1 s16, $0x2CB;
	s17 =	sshra.s32 @!p1 s16, $0x1F  }
0x1f: {  	p3 =	sgt.s32 @!p1 s15, $0x80;
	s19 =	sshra.s32 @!p1 s15, $0x1F;
	p2 =	por !p2, p1  }
0x20: {  	s16 =	sand.u32 @!p1 s17, s16;
	p3 =	por !p3, p1;
	s17 =	smov.u32 s15  }
0x21: {  	s15 =	sand.u32 @!p1 s19, s15;
	s18 =	simm.s32 @p2 $0x2CB;
	s17 =	simm.s32 @p3 $0x80  }
0x22: {  	s19 =	smov.u32 s13;
	s16 =	ssub.s32 @!p1 s18, s16;
	s15 =	ssub.s32 @!p1 s17, s15  }
0x23: {  	s17 =	sadd.s32 @!p1 $0xFFFFFD35, s16;
	s16 =	ssub.s32 @!p1 $0x2CC, s16;
	s18 =	sadd.s32 @!p1 $0xFFFFFF80, s15  }
0x24: {  	p2 =	sgt.s32 @!p1 s17, $0x0;
	s16 =	smul.u32 @!p1 $0x60, s16;
	p3 =	sgt.s32 @!p1 s18, $0x7F  }
0x25: {  	s15 =	ssub.s32 @!p1 $0x100, s15;
	p2 =	por !p2, p1;
	p3 =	por !p3, p1  }
0x26: {  	s17 =	sadd.s32 $0x10, s12;
	s16 =	simm.s32 @!p2 $0x0;
	s15 =	simm.s32 @!p3 $0x0  }
0x27: {  	p2 =	sgt.s32 s17, $0x2CB;
	s15 =	smul.u32 @!p1 s15, s16;
	s16 =	sadd.s32 $0x100, s13  }
0x28: {  	s19 =	smov.u32 @p2 s16  }
0x29: {  	s17 =	smov.u32 @p2 s4;
	p2 =	sgt.s32 s19, $0xFF  }
0x2a: {  	s19 =	smov.u32 @p2 s2;
	p2 =	sne.s32 s14, s8  }
.Ltmp1:
0x2b: {  	p0 =	por !p0, !p0;
	s18 =	simm.s32 @!p1 $0x2;
	(pc) =	sbr.rel @!p2 .LBB1_6-.Ltmp1, $4  }
0x2c: {  	s16 =	smov.u32 s10;
	s10 =	smov.u32 s12;
	s15 =	sand.u32 @!p1 $0x3FFFFFE0, s15  }
0x2d: {  	s12 =	smov.u32 s17;
	_ =	swait.ge @!p1 [sflag:s18], s15;
	s20 =	ssub.s32 @!p1 $0x0, s15  }
0x2e: {  	s15 =	smov.u32 s11;
	s14 =	sadd.s32 $0x1, s14;
	[sflag:s18] =	ssyncset.done @!p1 $0x0  }
0x2f: {  	s11 =	smov.u32 s13;
	s13 =	smov.u32 s19;
	[sflag:s18] =	ssyncadd.s32 @!p1 s20  }
.LBB1_1:
0x30: {  	p1 =	sge.u32 s14, s6  }
0x31: {  	s17 =	sand.u32 @!p1 $0x1FFFFFF, s12  }
0x32: {  	s18 =	smulhi.u32 @!p1 $0xB60B61, s17;
	_ =	sdelay $0x1  }
0x33: {  	s18 =	sshrl.u32 @!p1 s18, $0x1  }
0x34: {  	s18 =	smul.u32 @!p1 $0x2D0, s18  }
0x35: {  	s19 =	sxor.u32 @!p1 $0xFFFFFFFF, s14;
	s20 =	smul.u32 @!p1 $0x2D00, s13  }
0x36: {  	s31 =	sadd.s32 $0xFFFFFFFF, s14;
	s19 =	sshll.u32 @!p1 s19, $0xE;
	s17 =	ssub.s32 @!p1 s17, s18  }
0x37: {  	s18 =	sand.u32 @!p1 $0x4000, s19;
	s19 =	sadd.s32 @!p1 s7, s20;
	s17 =	sshll.u32 @!p1 s17, $0x4  }
0x38: {  	s20 =	simm.s32 @!p1 $0x16800;
	s17 =	sadd.s32 @!p1 s17, s19;
	s19 =	simm.s32 @!p1 $0x80  }
0x39: {  	[tilespmem:s18], [sflag:$0x1] =	stream.strided.gather @!p1 [hbm4b:s17+s19], $0x4000, s20, s19, $0x38;
	[tilespmem:$0x10100] =	vst v63  }
0x3a: {  	p1 =	sge.u32 s31, s6  }
.Ltmp2:
0x3b: {  	_ = 	snop;
	(pc) =	sbr.rel @p1 .LBB1_5-.Ltmp2, $1  }
0x3c: {  	_ =	sdelay $0x3  }
0x3d: {  	s17 =	simm.s32 $0x1  }
0x3e: {  	_ =	swait.ge [sflag:s5], $0x4000;
	s17 =	simm.s32 @!p0 $0x0  }
0x3f: {  	[sflag:s5] =	ssyncset.done $0x0;
	s18 =	sshll.u32 s17, $0xE  }
0x40: {  	[sflag:s5] =	ssyncadd.s32 $0xFFFFC000;
	s18 =	sor.u32 $0x40, s18  }
0x41: {  	s17 =	smul.u32 $0x10200, s17;
	v0 =	vld [tilespmem:s18+$0x30]  }
0x42: {  	v1 =	vld [tilespmem:s18+$0xFFFFFFD0]  }
0x43: {  	s17 =	sshrl.u32 s17, $0x2;
	v5 =	vld [tilespmem:s18+$0xFFFFFFE0]  }
0x44: {  	v6 =	vld [tilespmem:s18+$0xFFFFFFF0];
	s20 =	sor.u32 $0x8000, s17  }
0x45: {  	s31 =	sand.u32 $0x1, s14;
	v4 =	vld [tilespmem:s18+$0x0];
	s19 =	sadd.s32 $0x0, s20  }
0x46: {  	v3 =	vld [tilespmem:s18+$0x10];
	s17 =	smul.u32 $0x10200, s31;
	[tilespmem:s19+$0x3870 ss:$0x81] =	vst.msk $0xffff, v0  }
0x47: {  	v2 =	vld [tilespmem:s18+$0x20];
	[tilespmem:s19+$0x810 ss:$0x81] =	vst.msk $0xffff, v1  }
0x48: {  	s17 =	sshrl.u32 s17, $0x2;
	v1 =	vld [tilespmem:s18+$0xFFFFFFC0];
	[tilespmem:s19+$0x1020 ss:$0x81] =	vst.msk $0xffff, v5;
	s18 =	sadd.s32 $0x80, s18  }
0x49: {  	s21 =	simm.s32 $0x4;
	s22 =	simm.s32 $0x8;
	s17 =	sor.u32 $0x8000, s17;
	[tilespmem:s19+$0x1830 ss:$0x81] =	vst.msk $0xffff, v6;
	v0 =	vld [tilespmem:s18+$0x30]  }
.LBB1_3:
0x4a: {  	p1 =	sne.s32 s22, $0x1FC;
	v5 =	vld [tilespmem:s18+$0xFFFFFFD0];
	[tilespmem:s19+$0x2040 ss:$0x81] =	vst.msk $0xffff, v4  }
0x4b: {  	v6 =	vld [tilespmem:s18+$0xFFFFFFE0];
	[tilespmem:s19+$0x2850 ss:$0x81] =	vst.msk $0xffff, v3  }
0x4c: {  	s23 =	sshra.s32 s21, $0x2;
	s21 =	smov.u32 s22;
	v7 =	vld [tilespmem:s18+$0xFFFFFFF0];
	[tilespmem:s19+$0x3060 ss:$0x81] =	vst.msk $0xffff, v2  }
.Ltmp3:
0x4d: {  	v4 =	vld [tilespmem:s18+$0x0];
	[tilespmem:s19+$0x0 ss:$0x81] =	vst.msk $0xffff, v1;
	s19 =	sadd.s32 s23, s20;
	(pc) =	sbr.rel @p1 .LBB1_3-.Ltmp3, $4  }
0x4e: {  	v3 =	vld [tilespmem:s18+$0x10];
	[tilespmem:s19+$0x3870 ss:$0x81] =	vst.msk $0xffff, v0  }
0x4f: {  	[tilespmem:s19+$0x810 ss:$0x81] =	vst.msk $0xffff, v5;
	v2 =	vld [tilespmem:s18+$0x20]  }
0x50: {  	v1 =	vld [tilespmem:s18+$0xFFFFFFC0];
	[tilespmem:s19+$0x1020 ss:$0x81] =	vst.msk $0xffff, v6;
	s18 =	sadd.s32 $0x80, s18  }
0x51: {  	s22 =	sadd.s32 $0x4, s22;
	v0 =	vld [tilespmem:s18+$0x30];
	[tilespmem:s19+$0x1830 ss:$0x81] =	vst.msk $0xffff, v7  }
.Ltmp4:
0x52: {  	_ = 	snop;
	(pc) =	sbr.rel .LBB1_4-.Ltmp4, $1  }
0x53: {  	_ =	sdelay $0x3  }
.LBB1_6:
0x54: {  	_ =	sfence.sel $0x180000  }
0x55: {  	s2 =	simm.s32 $0x1;
	[bflag:$0x0] =	sbarrier.arrive $0xFFFF  }
0x56: {  	s31 =	simm.s32 $0x2;
	[sflag:s2] =	ssyncpa.u1 $0x1  }
0x57: {  	[sflag:s31] =	ssyncpa.u1 $0x1  }
0x58: {  	p0 =	sne.s32 s0, $0x0;
	_ =	strace $0x9000004A  }
0x59: {  	s0 =	sadd.s32 @!p0 $0x100000, s1;
	[bflag:$0x2] =	sbarrier.arrive $0xFFFF  }
0x5a: {  	[sflag:s0] =	ssyncadd.tile.s32 @!p0 $0x1;
	_ =	shalt  }
.Lfunc_end1:
_tile_overlayer_lowered:
.L_overlay_start_2:
0x5b: {  	(tag) =	ssettag $0x2  }
0x5c: {  	s0 =	rddreg [dreg:$0x0];
	s2 =	stileid.u32  }
0x5d: {  	s1 =	rddreg [dreg:$0x1];
	p0 =	sne.s32 s2, $0x0  }
0x5e: {  	s3 =	rddreg [dreg:$0x2];
	[bflag:$0x3] =	sbarrier.arrive $0xFFFF;
	s2 =	simm.s32 @!p0 $0x1C01  }
0x5f: {  	[timem:s3], [sflag:s2] =	dma.local @!p0 [hbm:s0], s1  }
0x60: {  	s0 =	simm.s32 @!p0 $0x1  }
0x61: {  	_ =	swait.ge @!p0 [sflag:s0], s1  }
0x62: {  	s1 =	ssub.s32 @!p0 $0x0, s1;
	[sflag:s0] =	ssyncset.done @!p0 $0x0  }
0x63: {  	[sflag:s0] =	ssyncadd.s32 @!p0 s1  }
0x64: {  	[bflag:$0x3] =	sbarrier.arrive $0xFFFF  }
0x65: {  	_ =	shalt  }

</sc_bundles>
